<compile_context>
chip_gen: v7x
topology: tpu7x:2x2x1
jax: 0.10.2.dev20260603
libtpu: 0.0.44.dev20260713+nightly
codegen_flags: <defaults>
</compile_context>

<pallas_src>
import functools

import jax
import jax.numpy as jnp
from jax import lax
from jax.experimental import pallas as pl
from jax.experimental.pallas import tpu as pltpu
from jax.experimental.pallas import tpu_sc as plsc

B = 16384
EMB = 64
PAIR = 2 * EMB
NC, NS = 2, 16
NW = NC * NS
BPW = B // NW
CH = 128
NCH = BPW // CH
NF = 5


def _fold_boundary(V):
    W = 8192
    return W * pl.cdiv(V, 2 * W)


def _tc_pack(table):
    V = table.shape[0]
    W = 8192
    hp = _fold_boundary(V)
    nb = hp // W

    vlast = pl.cdiv(V, W) - 1

    def body(a_ref, b_ref, o_ref):
        o_ref[...] = jnp.concatenate([a_ref[...].T, b_ref[...].T], axis=1)

    return pl.pallas_call(
        body, grid=(nb,),
        in_specs=[pl.BlockSpec((EMB, W), lambda i: (0, i)),
                  pl.BlockSpec((EMB, W),
                               lambda i: (0, jnp.minimum(i + nb, vlast)))],
        out_specs=pl.BlockSpec((W, PAIR), lambda i: (i, 0)),
        out_shape=jax.ShapeDtypeStruct((hp, PAIR), jnp.float32),
    )(table.T, table.T)


def _sc_gather5(tables2, idx3):
    mesh = plsc.VectorSubcoreMesh(core_axis_name="c", subcore_axis_name="s")
    out_type = tuple(
        jax.ShapeDtypeStruct((B, PAIR), jnp.float32) for _ in range(NF)
    )
    scratch = (
        [pltpu.VMEM((NCH, CH), jnp.int32) for _ in range(NF)]
        + [pltpu.VMEM((CH, PAIR), jnp.float32) for _ in range(NCH)]
        + [pltpu.SemaphoreType.DMA, pltpu.SemaphoreType.DMA]
    )

    @functools.partial(
        pl.kernel, out_type=out_type, mesh=mesh, scratch_types=scratch,
        compiler_params=pltpu.CompilerParams(use_tc_tiling_on_sc=True))
    def k(*refs):
        tbls = refs[0:NF]
        idxr = refs[NF:2 * NF]
        outs = refs[2 * NF:3 * NF]
        idx_v = refs[3 * NF:4 * NF]
        bufs = refs[4 * NF:4 * NF + NCH]
        gsem, wsem = refs[4 * NF + NCH], refs[4 * NF + NCH + 1]

        wid = lax.axis_index("s") * NC + lax.axis_index("c")
        base = wid * BPW

        for f in range(NF):
            pltpu.sync_copy(idxr[f].at[wid], idx_v[f])

        wb = [None] * NCH
        for f in range(NF):
            for j in range(NCH):
                if wb[j] is not None:
                    wb[j].wait()
            gh = [
                pltpu.async_copy(tbls[f].at[idx_v[f].at[j]], bufs[j], gsem)
                for j in range(NCH)
            ]
            for j in range(NCH):
                gh[j].wait()
                wb[j] = pltpu.async_copy(
                    bufs[j], outs[f].at[pl.ds(base + j * CH, CH)], wsem)
        for j in range(NCH):
            wb[j].wait()

    return k(*tables2, *idx3)


def _tc_textproj(text, Wt, bt):
    bm = 2048
    f32 = jnp.float32

    def body(text_ref, wt_ref, bt_ref, out_ref):
        out_ref[...] = lax.dot_general(
            text_ref[...], wt_ref[...], (((1,), (0,)), ((), ())),
            preferred_element_type=f32) + bt_ref[...]

    return pl.pallas_call(
        body, grid=(B // bm,),
        in_specs=[pl.BlockSpec((bm, text.shape[1]), lambda i: (i, 0)),
                  pl.BlockSpec(Wt.shape, lambda i: (0, 0)),
                  pl.BlockSpec(bt.shape, lambda i: (0, 0))],
        out_specs=pl.BlockSpec((bm, EMB), lambda i: (i, 0)),
        out_shape=jax.ShapeDtypeStruct((B, EMB), f32),
    )(text, Wt, bt)


def _tc_towers(p_uid, p_age, p_reg, p_iid, p_cat, par, text_emb,
               Wu1a, Wu1b, Wu1c, bu1, Wu2, bu2, Wu3, bu3,
               Wi1a, Wi1b, Wi1c, bi1, Wi2, bi2, Wi3, bi3):
    bm = 2048
    grid = (B // bm,)
    f32 = jnp.float32

    def dot(a, b):
        return lax.dot_general(a.astype(jnp.bfloat16), b.astype(jnp.bfloat16),
                               (((1,), (0,)), ((), ())),
                               preferred_element_type=f32)

    def body(uid_ref, age_ref, reg_ref, iid_ref, cat_ref, par_ref, te_ref,
             wu1a_ref, wu1b_ref, wu1c_ref, bu1_ref, wu2_ref, bu2_ref,
             wu3_ref, bu3_ref,
             wi1a_ref, wi1b_ref, wi1c_ref, bi1_ref, wi2_ref, bi2_ref,
             wi3_ref, bi3_ref,
             uout_ref, iout_ref):
        par = par_ref[...]

        def half(pair_ref, k):
            p = par[:, k:k + 1] > 0.5
            return jnp.where(p, pair_ref[:, EMB:], pair_ref[:, :EMB])

        h = (dot(half(uid_ref, 0), wu1a_ref[...])
             + dot(half(age_ref, 1), wu1b_ref[...])
             + dot(half(reg_ref, 2), wu1c_ref[...]) + bu1_ref[...])
        h = jnp.maximum(h, 0.0)
        h = jnp.maximum(dot(h, wu2_ref[...]) + bu2_ref[...], 0.0)
        u = dot(h, wu3_ref[...]) + bu3_ref[...]
        n = jnp.sqrt(jnp.sum(u * u, axis=1, keepdims=True))
        uout_ref[...] = u / jnp.maximum(n, 1e-12)
        h = (dot(half(iid_ref, 3), wi1a_ref[...])
             + dot(half(cat_ref, 4), wi1b_ref[...])
             + dot(te_ref[...], wi1c_ref[...]) + bi1_ref[...])
        h = jnp.maximum(h, 0.0)
        h = jnp.maximum(dot(h, wi2_ref[...]) + bi2_ref[...], 0.0)
        v = dot(h, wi3_ref[...]) + bi3_ref[...]
        n = jnp.sqrt(jnp.sum(v * v, axis=1, keepdims=True))
        iout_ref[...] = v / jnp.maximum(n, 1e-12)

    def batch_spec(d):
        return pl.BlockSpec((bm, d), lambda i: (i, 0))

    def full_spec(a):
        return pl.BlockSpec(a.shape, lambda i: (0,) * a.ndim)

    weights = (Wu1a, Wu1b, Wu1c, bu1, Wu2, bu2, Wu3, bu3,
               Wi1a, Wi1b, Wi1c, bi1, Wi2, bi2, Wi3, bi3)
    in_specs = ([batch_spec(PAIR)] * 5 + [batch_spec(8), batch_spec(EMB)]
                + [full_spec(w) for w in weights])
    out_specs = [batch_spec(EMB), batch_spec(EMB)]
    out_shape = [jax.ShapeDtypeStruct((B, EMB), f32)] * 2

    return pl.pallas_call(
        body, grid=grid, in_specs=in_specs, out_specs=out_specs,
        out_shape=out_shape,
    )(p_uid, p_age, p_reg, p_iid, p_cat, par, text_emb, *weights)


def kernel(user_id, user_age, user_region, item_id, item_category,
           text_features,
           E_user_id, E_user_age, E_user_region, E_item_id, E_item_category,
           Wt, bt, Wu1, bu1, Wu2, bu2, Wu3, bu3, Wi1, bi1, Wi2, bi2, Wi3, bi3):
    idxs = [user_id, user_age, user_region, item_id, item_category]
    tabs = [E_user_id, E_user_age, E_user_region, E_item_id, E_item_category]
    fold = [True, False, False, True, False]
    tables2, pidxs, halves = [], [], []
    for t, i, fo in zip(tabs, idxs, fold):
        if fo:
            h = _fold_boundary(t.shape[0])
            tables2.append(_tc_pack(t))
            pidxs.append(jnp.where(i < h, i, i - h))
            halves.append((i >= h).astype(jnp.float32))
        else:
            tables2.append(t.reshape(-1, PAIR))
            pidxs.append(i >> 1)
            halves.append((i & 1).astype(jnp.float32))
    idx3 = [i.reshape(NW, NCH, CH) for i in pidxs]
    par = jnp.stack(halves + [jnp.zeros((B,), jnp.float32)] * 3, axis=1)

    pairs = _sc_gather5(tables2, idx3)
    text_emb = _tc_textproj(text_features, Wt, bt.reshape(1, EMB))
    user_out, item_out = _tc_towers(
        *pairs, par, text_emb,
        Wu1[0:EMB], Wu1[EMB:2 * EMB], Wu1[2 * EMB:3 * EMB],
        bu1.reshape(1, -1), Wu2, bu2.reshape(1, -1), Wu3, bu3.reshape(1, -1),
        Wi1[0:EMB], Wi1[EMB:2 * EMB], Wi1[2 * EMB:3 * EMB],
        bi1.reshape(1, -1), Wi2, bi2.reshape(1, -1), Wi3, bi3.reshape(1, -1))
    return (user_out, item_out)

# --- scband reference (transcript-rebuilt; emitter-appended) ---
"""Pipeline reference for scband-two-tower-model-69784628625909 (READ-ONLY COPY).

The authoritative reference and input builder live on the scoring server;
editing this copy changes nothing except your own understanding.
"""

import jax, jax.numpy as jnp
import numpy as np

B = 16384
EMB = 64
TEXT_DIM = 768
USER_VOCABS = {"user_id": 1000000, "age": 100, "region": 1000}
ITEM_VOCABS = {"item_id": 100000, "category": 10000}


def _mlp(x, Ws, bs):
    n = len(Ws)
    for i in range(n):
        x = x @ Ws[i] + bs[i]
        if i < n - 1:
            x = jax.nn.relu(x)
    return x


def _l2norm(x):
    return x / jnp.maximum(jnp.linalg.norm(x, axis=1, keepdims=True), 1e-12)


def setup_inputs(seed: int = 0):
    key = jax.random.key(seed)
    ks = jax.random.split(key, 32)
    inp = {}
    inp["user_id"] = jax.random.randint(ks[0], (B,), 0, USER_VOCABS["user_id"], dtype=jnp.int32)
    inp["user_age"] = jax.random.randint(ks[1], (B,), 0, USER_VOCABS["age"], dtype=jnp.int32)
    inp["user_region"] = jax.random.randint(ks[2], (B,), 0, USER_VOCABS["region"], dtype=jnp.int32)
    inp["item_id"] = jax.random.randint(ks[3], (B,), 0, ITEM_VOCABS["item_id"], dtype=jnp.int32)
    inp["item_category"] = jax.random.randint(ks[4], (B,), 0, ITEM_VOCABS["category"], dtype=jnp.int32)
    inp["text_features"] = jax.random.normal(ks[5], (B, TEXT_DIM), dtype=jnp.float32)
    # embedding tables
    inp["E_user_id"] = jax.random.normal(ks[6], (USER_VOCABS["user_id"], EMB), dtype=jnp.float32) * 0.02
    inp["E_user_age"] = jax.random.normal(ks[7], (USER_VOCABS["age"], EMB), dtype=jnp.float32) * 0.02
    inp["E_user_region"] = jax.random.normal(ks[8], (USER_VOCABS["region"], EMB), dtype=jnp.float32) * 0.02
    inp["E_item_id"] = jax.random.normal(ks[9], (ITEM_VOCABS["item_id"], EMB), dtype=jnp.float32) * 0.02
    inp["E_item_category"] = jax.random.normal(ks[10], (ITEM_VOCABS["category"], EMB), dtype=jnp.float32) * 0.02
    # text projection
    inp["Wt"] = jax.random.normal(ks[11], (TEXT_DIM, EMB), dtype=jnp.float32) * 0.02
    inp["bt"] = jnp.zeros((EMB,), dtype=jnp.float32)
    # user tower MLP: 3*EMB -> 256 -> 128 -> EMB
    inp["Wu1"] = jax.random.normal(ks[12], (3 * EMB, 256), dtype=jnp.float32) * 0.02
    inp["bu1"] = jnp.zeros((256,), dtype=jnp.float32)
    inp["Wu2"] = jax.random.normal(ks[13], (256, 128), dtype=jnp.float32) * 0.02
    inp["bu2"] = jnp.zeros((128,), dtype=jnp.float32)
    inp["Wu3"] = jax.random.normal(ks[14], (128, EMB), dtype=jnp.float32) * 0.02
    inp["bu3"] = jnp.zeros((EMB,), dtype=jnp.float32)
    # item tower MLP: (2+1)*EMB -> 256 -> 128 -> EMB
    inp["Wi1"] = jax.random.normal(ks[15], (3 * EMB, 256), dtype=jnp.float32) * 0.02
    inp["bi1"] = jnp.zeros((256,), dtype=jnp.float32)
    inp["Wi2"] = jax.random.normal(ks[16], (256, 128), dtype=jnp.float32) * 0.02
    inp["bi2"] = jnp.zeros((128,), dtype=jnp.float32)
    inp["Wi3"] = jax.random.normal(ks[17], (128, EMB), dtype=jnp.float32) * 0.02
    inp["bi3"] = jnp.zeros((EMB,), dtype=jnp.float32)
    return inp


def reference(user_id, user_age, user_region, item_id, item_category, text_features,
              E_user_id, E_user_age, E_user_region, E_item_id, E_item_category,
              Wt, bt, Wu1, bu1, Wu2, bu2, Wu3, bu3, Wi1, bi1, Wi2, bi2, Wi3, bi3):
    # user tower: embedding lookups -> concat -> MLP -> L2 normalize
    u_emb = jnp.concatenate([
        jnp.take(E_user_id, user_id, axis=0),
        jnp.take(E_user_age, user_age, axis=0),
        jnp.take(E_user_region, user_region, axis=0),
    ], axis=-1)
    user_out = _l2norm(_mlp(u_emb, [Wu1, Wu2, Wu3], [bu1, bu2, bu3]))
    # item tower: embedding lookups + text projection -> concat -> MLP -> L2 normalize
    text_emb = text_features @ Wt + bt
    i_emb = jnp.concatenate([
        jnp.take(E_item_id, item_id, axis=0),
        jnp.take(E_item_category, item_category, axis=0),
        text_emb,
    ], axis=-1)
    item_out = _l2norm(_mlp(i_emb, [Wi1, Wi2, Wi3], [bi1, bi2, bi3]))
    return (user_out, item_out)

if __name__ == "__main__":
    import jax
    _d = setup_inputs()
    print(jax.jit(kernel)(*tuple(_d.values())))

</pallas_src>

<mosaic_0001>
#map = affine_map<(d0, d1) -> (0, 0)>
#map1 = affine_map<(d0, d1) -> (0, 0, 0)>
module attributes {stable_mosaic.version = 14 : i64} {
  func.func @k(%arg0: i32, %arg1: i32, %arg2: memref<507904x128xf32, #tpu.memory_space<hbm>>, %arg3: memref<50x128xf32, #tpu.memory_space<hbm>>, %arg4: memref<500x128xf32, #tpu.memory_space<hbm>>, %arg5: memref<57344x128xf32, #tpu.memory_space<hbm>>, %arg6: memref<5000x128xf32, #tpu.memory_space<hbm>>, %arg7: memref<32x4x128xi32, #tpu.memory_space<hbm>>, %arg8: memref<32x4x128xi32, #tpu.memory_space<hbm>>, %arg9: memref<32x4x128xi32, #tpu.memory_space<hbm>>, %arg10: memref<32x4x128xi32, #tpu.memory_space<hbm>>, %arg11: memref<32x4x128xi32, #tpu.memory_space<hbm>>, %arg12: memref<16384x128xf32, #tpu.memory_space<hbm>>, %arg13: memref<16384x128xf32, #tpu.memory_space<hbm>>, %arg14: memref<16384x128xf32, #tpu.memory_space<hbm>>, %arg15: memref<16384x128xf32, #tpu.memory_space<hbm>>, %arg16: memref<16384x128xf32, #tpu.memory_space<hbm>>, %arg17: memref<4x128xi32, #tpu.memory_space<vmem>>, %arg18: memref<4x128xi32, #tpu.memory_space<vmem>>, %arg19: memref<4x128xi32, #tpu.memory_space<vmem>>, %arg20: memref<4x128xi32, #tpu.memory_space<vmem>>, %arg21: memref<4x128xi32, #tpu.memory_space<vmem>>, %arg22: memref<128x128xf32, #tpu.memory_space<vmem>>, %arg23: memref<128x128xf32, #tpu.memory_space<vmem>>, %arg24: memref<128x128xf32, #tpu.memory_space<vmem>>, %arg25: memref<128x128xf32, #tpu.memory_space<vmem>>, %arg26: memref<!tpu.dma_semaphore, #tpu.memory_space<semaphore_mem>>, %arg27: memref<!tpu.dma_semaphore, #tpu.memory_space<semaphore_mem>>) attributes {dimension_semantics = [#tpu.dimension_semantics<core_parallel>, #tpu.dimension_semantics<subcore_parallel>], iteration_bounds = array<i64: 2, 16>, scalar_prefetch = 0 : i64, scratch_operands = 11 : i64, tpu.core_type = #tpu.core_type<sc_vector_subcore>, window_params = [{transform_indices = #map}, {transform_indices = #map}, {transform_indices = #map}, {transform_indices = #map}, {transform_indices = #map}, {transform_indices = #map1}, {transform_indices = #map1}, {transform_indices = #map1}, {transform_indices = #map1}, {transform_indices = #map1}, {transform_indices = #map}, {transform_indices = #map}, {transform_indices = #map}, {transform_indices = #map}, {transform_indices = #map}]} {
    %mul3A = arith.constant 2 : i32
    %mul3A_0 = arith.muli %arg1, %mul3A : i32
    %add3A = arith.addi %mul3A_0, %arg0 : i32
    %mul3A_1 = arith.constant 512 : i32
    %mul3A_2 = arith.muli %add3A, %mul3A_1 : i32
    "tpu.region"() ({
      %run_scoped3A = tpu.sem_alloc : memref<!tpu.dma_semaphore, #tpu.memory_space<semaphore_mem>>
      %dma_start3A_481 = arith.constant 0 : i32
      %dma_start3A_482 = arith.constant 0 : i32
      %dma_start3A_483 = tpu.memref_slice %arg7[%add3A, %dma_start3A_481, %dma_start3A_482] : memref<32x4x128xi32, #tpu.memory_space<hbm>> -> memref<1x4x128xi32, #tpu.memory_space<hbm>>
      %dma_start3A_484 = tpu.memref_squeeze %dma_start3A_483 : memref<1x4x128xi32, #tpu.memory_space<hbm>> -> memref<4x128xi32, #tpu.memory_space<hbm>>
      %dma_start3A_485 = arith.constant 0 : i32
      %dma_start3A_486 = arith.constant 0 : i32
      %dma_start3A_487 = tpu.memref_slice %arg7[%add3A, %dma_start3A_485, %dma_start3A_486] : memref<32x4x128xi32, #tpu.memory_space<hbm>> -> memref<1x4x128xi32, #tpu.memory_space<hbm>>
      %dma_start3A_488 = tpu.memref_squeeze %dma_start3A_487 : memref<1x4x128xi32, #tpu.memory_space<hbm>> -> memref<4x128xi32, #tpu.memory_space<hbm>>
      tpu.enqueue_dma source(%dma_start3A_488 : memref<4x128xi32, #tpu.memory_space<hbm>>) target(%arg17 : memref<4x128xi32, #tpu.memory_space<vmem>>) target_semaphore(%run_scoped3A : memref<!tpu.dma_semaphore, #tpu.memory_space<semaphore_mem>>)
      %dma_wait3A_489 = arith.constant 0 : i32
      %dma_wait3A_490 = arith.constant 0 : i32
      %dma_wait3A_491 = tpu.memref_slice %arg7[%add3A, %dma_wait3A_489, %dma_wait3A_490] : memref<32x4x128xi32, #tpu.memory_space<hbm>> -> memref<1x4x128xi32, #tpu.memory_space<hbm>>
      %dma_wait3A_492 = tpu.memref_squeeze %dma_wait3A_491 : memref<1x4x128xi32, #tpu.memory_space<hbm>> -> memref<4x128xi32, #tpu.memory_space<hbm>>
      %dma_wait3A_493 = arith.constant 0 : i32
      %dma_wait3A_494 = arith.constant 0 : i32
      %dma_wait3A_495 = tpu.memref_slice %arg7[%add3A, %dma_wait3A_493, %dma_wait3A_494] : memref<32x4x128xi32, #tpu.memory_space<hbm>> -> memref<1x4x128xi32, #tpu.memory_space<hbm>>
      %dma_wait3A_496 = tpu.memref_squeeze %dma_wait3A_495 : memref<1x4x128xi32, #tpu.memory_space<hbm>> -> memref<4x128xi32, #tpu.memory_space<hbm>>
      tpu.wait_dma2 semaphore(%run_scoped3A : memref<!tpu.dma_semaphore, #tpu.memory_space<semaphore_mem>>) src(%dma_wait3A_496 : memref<4x128xi32, #tpu.memory_space<hbm>>) dst(%arg17 : memref<4x128xi32, #tpu.memory_space<vmem>>)
      tpu.yield
    }) : () -> ()
    "tpu.region"() ({
      %run_scoped3A = tpu.sem_alloc : memref<!tpu.dma_semaphore, #tpu.memory_space<semaphore_mem>>
      %dma_start3A_481 = arith.constant 0 : i32
      %dma_start3A_482 = arith.constant 0 : i32
      %dma_start3A_483 = tpu.memref_slice %arg8[%add3A, %dma_start3A_481, %dma_start3A_482] : memref<32x4x128xi32, #tpu.memory_space<hbm>> -> memref<1x4x128xi32, #tpu.memory_space<hbm>>
      %dma_start3A_484 = tpu.memref_squeeze %dma_start3A_483 : memref<1x4x128xi32, #tpu.memory_space<hbm>> -> memref<4x128xi32, #tpu.memory_space<hbm>>
      %dma_start3A_485 = arith.constant 0 : i32
      %dma_start3A_486 = arith.constant 0 : i32
      %dma_start3A_487 = tpu.memref_slice %arg8[%add3A, %dma_start3A_485, %dma_start3A_486] : memref<32x4x128xi32, #tpu.memory_space<hbm>> -> memref<1x4x128xi32, #tpu.memory_space<hbm>>
      %dma_start3A_488 = tpu.memref_squeeze %dma_start3A_487 : memref<1x4x128xi32, #tpu.memory_space<hbm>> -> memref<4x128xi32, #tpu.memory_space<hbm>>
      tpu.enqueue_dma source(%dma_start3A_488 : memref<4x128xi32, #tpu.memory_space<hbm>>) target(%arg18 : memref<4x128xi32, #tpu.memory_space<vmem>>) target_semaphore(%run_scoped3A : memref<!tpu.dma_semaphore, #tpu.memory_space<semaphore_mem>>)
      %dma_wait3A_489 = arith.constant 0 : i32
      %dma_wait3A_490 = arith.constant 0 : i32
      %dma_wait3A_491 = tpu.memref_slice %arg8[%add3A, %dma_wait3A_489, %dma_wait3A_490] : memref<32x4x128xi32, #tpu.memory_space<hbm>> -> memref<1x4x128xi32, #tpu.memory_space<hbm>>
      %dma_wait3A_492 = tpu.memref_squeeze %dma_wait3A_491 : memref<1x4x128xi32, #tpu.memory_space<hbm>> -> memref<4x128xi32, #tpu.memory_space<hbm>>
      %dma_wait3A_493 = arith.constant 0 : i32
      %dma_wait3A_494 = arith.constant 0 : i32
      %dma_wait3A_495 = tpu.memref_slice %arg8[%add3A, %dma_wait3A_493, %dma_wait3A_494] : memref<32x4x128xi32, #tpu.memory_space<hbm>> -> memref<1x4x128xi32, #tpu.memory_space<hbm>>
      %dma_wait3A_496 = tpu.memref_squeeze %dma_wait3A_495 : memref<1x4x128xi32, #tpu.memory_space<hbm>> -> memref<4x128xi32, #tpu.memory_space<hbm>>
      tpu.wait_dma2 semaphore(%run_scoped3A : memref<!tpu.dma_semaphore, #tpu.memory_space<semaphore_mem>>) src(%dma_wait3A_496 : memref<4x128xi32, #tpu.memory_space<hbm>>) dst(%arg18 : memref<4x128xi32, #tpu.memory_space<vmem>>)
      tpu.yield
    }) : () -> ()
    "tpu.region"() ({
      %run_scoped3A = tpu.sem_alloc : memref<!tpu.dma_semaphore, #tpu.memory_space<semaphore_mem>>
      %dma_start3A_481 = arith.constant 0 : i32
      %dma_start3A_482 = arith.constant 0 : i32
      %dma_start3A_483 = tpu.memref_slice %arg9[%add3A, %dma_start3A_481, %dma_start3A_482] : memref<32x4x128xi32, #tpu.memory_space<hbm>> -> memref<1x4x128xi32, #tpu.memory_space<hbm>>
      %dma_start3A_484 = tpu.memref_squeeze %dma_start3A_483 : memref<1x4x128xi32, #tpu.memory_space<hbm>> -> memref<4x128xi32, #tpu.memory_space<hbm>>
      %dma_start3A_485 = arith.constant 0 : i32
      %dma_start3A_486 = arith.constant 0 : i32
      %dma_start3A_487 = tpu.memref_slice %arg9[%add3A, %dma_start3A_485, %dma_start3A_486] : memref<32x4x128xi32, #tpu.memory_space<hbm>> -> memref<1x4x128xi32, #tpu.memory_space<hbm>>
      %dma_start3A_488 = tpu.memref_squeeze %dma_start3A_487 : memref<1x4x128xi32, #tpu.memory_space<hbm>> -> memref<4x128xi32, #tpu.memory_space<hbm>>
      tpu.enqueue_dma source(%dma_start3A_488 : memref<4x128xi32, #tpu.memory_space<hbm>>) target(%arg19 : memref<4x128xi32, #tpu.memory_space<vmem>>) target_semaphore(%run_scoped3A : memref<!tpu.dma_semaphore, #tpu.memory_space<semaphore_mem>>)
      %dma_wait3A_489 = arith.constant 0 : i32
      %dma_wait3A_490 = arith.constant 0 : i32
      %dma_wait3A_491 = tpu.memref_slice %arg9[%add3A, %dma_wait3A_489, %dma_wait3A_490] : memref<32x4x128xi32, #tpu.memory_space<hbm>> -> memref<1x4x128xi32, #tpu.memory_space<hbm>>
      %dma_wait3A_492 = tpu.memref_squeeze %dma_wait3A_491 : memref<1x4x128xi32, #tpu.memory_space<hbm>> -> memref<4x128xi32, #tpu.memory_space<hbm>>
      %dma_wait3A_493 = arith.constant 0 : i32
      %dma_wait3A_494 = arith.constant 0 : i32
      %dma_wait3A_495 = tpu.memref_slice %arg9[%add3A, %dma_wait3A_493, %dma_wait3A_494] : memref<32x4x128xi32, #tpu.memory_space<hbm>> -> memref<1x4x128xi32, #tpu.memory_space<hbm>>
      %dma_wait3A_496 = tpu.memref_squeeze %dma_wait3A_495 : memref<1x4x128xi32, #tpu.memory_space<hbm>> -> memref<4x128xi32, #tpu.memory_space<hbm>>
      tpu.wait_dma2 semaphore(%run_scoped3A : memref<!tpu.dma_semaphore, #tpu.memory_space<semaphore_mem>>) src(%dma_wait3A_496 : memref<4x128xi32, #tpu.memory_space<hbm>>) dst(%arg19 : memref<4x128xi32, #tpu.memory_space<vmem>>)
      tpu.yield
    }) : () -> ()
    "tpu.region"() ({
      %run_scoped3A = tpu.sem_alloc : memref<!tpu.dma_semaphore, #tpu.memory_space<semaphore_mem>>
      %dma_start3A_481 = arith.constant 0 : i32
      %dma_start3A_482 = arith.constant 0 : i32
      %dma_start3A_483 = tpu.memref_slice %arg10[%add3A, %dma_start3A_481, %dma_start3A_482] : memref<32x4x128xi32, #tpu.memory_space<hbm>> -> memref<1x4x128xi32, #tpu.memory_space<hbm>>
      %dma_start3A_484 = tpu.memref_squeeze %dma_start3A_483 : memref<1x4x128xi32, #tpu.memory_space<hbm>> -> memref<4x128xi32, #tpu.memory_space<hbm>>
      %dma_start3A_485 = arith.constant 0 : i32
      %dma_start3A_486 = arith.constant 0 : i32
      %dma_start3A_487 = tpu.memref_slice %arg10[%add3A, %dma_start3A_485, %dma_start3A_486] : memref<32x4x128xi32, #tpu.memory_space<hbm>> -> memref<1x4x128xi32, #tpu.memory_space<hbm>>
      %dma_start3A_488 = tpu.memref_squeeze %dma_start3A_487 : memref<1x4x128xi32, #tpu.memory_space<hbm>> -> memref<4x128xi32, #tpu.memory_space<hbm>>
      tpu.enqueue_dma source(%dma_start3A_488 : memref<4x128xi32, #tpu.memory_space<hbm>>) target(%arg20 : memref<4x128xi32, #tpu.memory_space<vmem>>) target_semaphore(%run_scoped3A : memref<!tpu.dma_semaphore, #tpu.memory_space<semaphore_mem>>)
      %dma_wait3A_489 = arith.constant 0 : i32
      %dma_wait3A_490 = arith.constant 0 : i32
      %dma_wait3A_491 = tpu.memref_slice %arg10[%add3A, %dma_wait3A_489, %dma_wait3A_490] : memref<32x4x128xi32, #tpu.memory_space<hbm>> -> memref<1x4x128xi32, #tpu.memory_space<hbm>>
      %dma_wait3A_492 = tpu.memref_squeeze %dma_wait3A_491 : memref<1x4x128xi32, #tpu.memory_space<hbm>> -> memref<4x128xi32, #tpu.memory_space<hbm>>
      %dma_wait3A_493 = arith.constant 0 : i32
      %dma_wait3A_494 = arith.constant 0 : i32
      %dma_wait3A_495 = tpu.memref_slice %arg10[%add3A, %dma_wait3A_493, %dma_wait3A_494] : memref<32x4x128xi32, #tpu.memory_space<hbm>> -> memref<1x4x128xi32, #tpu.memory_space<hbm>>
      %dma_wait3A_496 = tpu.memref_squeeze %dma_wait3A_495 : memref<1x4x128xi32, #tpu.memory_space<hbm>> -> memref<4x128xi32, #tpu.memory_space<hbm>>
      tpu.wait_dma2 semaphore(%run_scoped3A : memref<!tpu.dma_semaphore, #tpu.memory_space<semaphore_mem>>) src(%dma_wait3A_496 : memref<4x128xi32, #tpu.memory_space<hbm>>) dst(%arg20 : memref<4x128xi32, #tpu.memory_space<vmem>>)
      tpu.yield
    }) : () -> ()
    "tpu.region"() ({
      %run_scoped3A = tpu.sem_alloc : memref<!tpu.dma_semaphore, #tpu.memory_space<semaphore_mem>>
      %dma_start3A_481 = arith.constant 0 : i32
      %dma_start3A_482 = arith.constant 0 : i32
      %dma_start3A_483 = tpu.memref_slice %arg11[%add3A, %dma_start3A_481, %dma_start3A_482] : memref<32x4x128xi32, #tpu.memory_space<hbm>> -> memref<1x4x128xi32, #tpu.memory_space<hbm>>
      %dma_start3A_484 = tpu.memref_squeeze %dma_start3A_483 : memref<1x4x128xi32, #tpu.memory_space<hbm>> -> memref<4x128xi32, #tpu.memory_space<hbm>>
      %dma_start3A_485 = arith.constant 0 : i32
      %dma_start3A_486 = arith.constant 0 : i32
      %dma_start3A_487 = tpu.memref_slice %arg11[%add3A, %dma_start3A_485, %dma_start3A_486] : memref<32x4x128xi32, #tpu.memory_space<hbm>> -> memref<1x4x128xi32, #tpu.memory_space<hbm>>
      %dma_start3A_488 = tpu.memref_squeeze %dma_start3A_487 : memref<1x4x128xi32, #tpu.memory_space<hbm>> -> memref<4x128xi32, #tpu.memory_space<hbm>>
      tpu.enqueue_dma source(%dma_start3A_488 : memref<4x128xi32, #tpu.memory_space<hbm>>) target(%arg21 : memref<4x128xi32, #tpu.memory_space<vmem>>) target_semaphore(%run_scoped3A : memref<!tpu.dma_semaphore, #tpu.memory_space<semaphore_mem>>)
      %dma_wait3A_489 = arith.constant 0 : i32
      %dma_wait3A_490 = arith.constant 0 : i32
      %dma_wait3A_491 = tpu.memref_slice %arg11[%add3A, %dma_wait3A_489, %dma_wait3A_490] : memref<32x4x128xi32, #tpu.memory_space<hbm>> -> memref<1x4x128xi32, #tpu.memory_space<hbm>>
      %dma_wait3A_492 = tpu.memref_squeeze %dma_wait3A_491 : memref<1x4x128xi32, #tpu.memory_space<hbm>> -> memref<4x128xi32, #tpu.memory_space<hbm>>
      %dma_wait3A_493 = arith.constant 0 : i32
      %dma_wait3A_494 = arith.constant 0 : i32
      %dma_wait3A_495 = tpu.memref_slice %arg11[%add3A, %dma_wait3A_493, %dma_wait3A_494] : memref<32x4x128xi32, #tpu.memory_space<hbm>> -> memref<1x4x128xi32, #tpu.memory_space<hbm>>
      %dma_wait3A_496 = tpu.memref_squeeze %dma_wait3A_495 : memref<1x4x128xi32, #tpu.memory_space<hbm>> -> memref<4x128xi32, #tpu.memory_space<hbm>>
      tpu.wait_dma2 semaphore(%run_scoped3A : memref<!tpu.dma_semaphore, #tpu.memory_space<semaphore_mem>>) src(%dma_wait3A_496 : memref<4x128xi32, #tpu.memory_space<hbm>>) dst(%arg21 : memref<4x128xi32, #tpu.memory_space<vmem>>)
      tpu.yield
    }) : () -> ()
    %dma_start3A = arith.constant 0 : i32
    %dma_start3A_3 = arith.constant 0 : i32
    %dma_start3A_4 = tpu.memref_slice %arg17[%dma_start3A, %dma_start3A_3] : memref<4x128xi32, #tpu.memory_space<vmem>> -> memref<1x128xi32, #tpu.memory_space<vmem>>
    %dma_start3A_5 = tpu.memref_squeeze %dma_start3A_4 : memref<1x128xi32, #tpu.memory_space<vmem>> -> memref<128xi32, #tpu.memory_space<vmem>>
    %dma_start3A_6 = arith.constant 0 : i32
    %dma_start3A_7 = arith.constant 0 : i32
    %dma_start3A_8 = tpu.memref_slice %arg2[%dma_start3A_6, %dma_start3A_7] : memref<507904x128xf32, #tpu.memory_space<hbm>> -> memref<507904x128xf32, #tpu.memory_space<hbm>>
    tpu.enqueue_indirect_dma source(%dma_start3A_8 : memref<507904x128xf32, #tpu.memory_space<hbm>>) target(%arg22 : memref<128x128xf32, #tpu.memory_space<vmem>>) offsets(%dma_start3A_5 : memref<128xi32, #tpu.memory_space<vmem>>) semaphore(%arg26 : memref<!tpu.dma_semaphore, #tpu.memory_space<semaphore_mem>>)
    %dma_start3A_9 = arith.constant 1 : i32
    %dma_start3A_10 = arith.constant 0 : i32
    %dma_start3A_11 = tpu.memref_slice %arg17[%dma_start3A_9, %dma_start3A_10] : memref<4x128xi32, #tpu.memory_space<vmem>> -> memref<1x128xi32, #tpu.memory_space<vmem>>
    %dma_start3A_12 = tpu.memref_squeeze %dma_start3A_11 : memref<1x128xi32, #tpu.memory_space<vmem>> -> memref<128xi32, #tpu.memory_space<vmem>>
    %dma_start3A_13 = arith.constant 0 : i32
    %dma_start3A_14 = arith.constant 0 : i32
    %dma_start3A_15 = tpu.memref_slice %arg2[%dma_start3A_13, %dma_start3A_14] : memref<507904x128xf32, #tpu.memory_space<hbm>> -> memref<507904x128xf32, #tpu.memory_space<hbm>>
    tpu.enqueue_indirect_dma source(%dma_start3A_15 : memref<507904x128xf32, #tpu.memory_space<hbm>>) target(%arg23 : memref<128x128xf32, #tpu.memory_space<vmem>>) offsets(%dma_start3A_12 : memref<128xi32, #tpu.memory_space<vmem>>) semaphore(%arg26 : memref<!tpu.dma_semaphore, #tpu.memory_space<semaphore_mem>>)
    %dma_start3A_16 = arith.constant 2 : i32
    %dma_start3A_17 = arith.constant 0 : i32
    %dma_start3A_18 = tpu.memref_slice %arg17[%dma_start3A_16, %dma_start3A_17] : memref<4x128xi32, #tpu.memory_space<vmem>> -> memref<1x128xi32, #tpu.memory_space<vmem>>
    %dma_start3A_19 = tpu.memref_squeeze %dma_start3A_18 : memref<1x128xi32, #tpu.memory_space<vmem>> -> memref<128xi32, #tpu.memory_space<vmem>>
    %dma_start3A_20 = arith.constant 0 : i32
    %dma_start3A_21 = arith.constant 0 : i32
    %dma_start3A_22 = tpu.memref_slice %arg2[%dma_start3A_20, %dma_start3A_21] : memref<507904x128xf32, #tpu.memory_space<hbm>> -> memref<507904x128xf32, #tpu.memory_space<hbm>>
    tpu.enqueue_indirect_dma source(%dma_start3A_22 : memref<507904x128xf32, #tpu.memory_space<hbm>>) target(%arg24 : memref<128x128xf32, #tpu.memory_space<vmem>>) offsets(%dma_start3A_19 : memref<128xi32, #tpu.memory_space<vmem>>) semaphore(%arg26 : memref<!tpu.dma_semaphore, #tpu.memory_space<semaphore_mem>>)
    %dma_start3A_23 = arith.constant 3 : i32
    %dma_start3A_24 = arith.constant 0 : i32
    %dma_start3A_25 = tpu.memref_slice %arg17[%dma_start3A_23, %dma_start3A_24] : memref<4x128xi32, #tpu.memory_space<vmem>> -> memref<1x128xi32, #tpu.memory_space<vmem>>
    %dma_start3A_26 = tpu.memref_squeeze %dma_start3A_25 : memref<1x128xi32, #tpu.memory_space<vmem>> -> memref<128xi32, #tpu.memory_space<vmem>>
    %dma_start3A_27 = arith.constant 0 : i32
    %dma_start3A_28 = arith.constant 0 : i32
    %dma_start3A_29 = tpu.memref_slice %arg2[%dma_start3A_27, %dma_start3A_28] : memref<507904x128xf32, #tpu.memory_space<hbm>> -> memref<507904x128xf32, #tpu.memory_space<hbm>>
    tpu.enqueue_indirect_dma source(%dma_start3A_29 : memref<507904x128xf32, #tpu.memory_space<hbm>>) target(%arg25 : memref<128x128xf32, #tpu.memory_space<vmem>>) offsets(%dma_start3A_26 : memref<128xi32, #tpu.memory_space<vmem>>) semaphore(%arg26 : memref<!tpu.dma_semaphore, #tpu.memory_space<semaphore_mem>>)
    %dma_wait3A = arith.constant 0 : i32
    %dma_wait3A_30 = arith.constant 0 : i32
    %dma_wait3A_31 = tpu.memref_slice %arg17[%dma_wait3A, %dma_wait3A_30] : memref<4x128xi32, #tpu.memory_space<vmem>> -> memref<1x128xi32, #tpu.memory_space<vmem>>
    %dma_wait3A_32 = tpu.memref_squeeze %dma_wait3A_31 : memref<1x128xi32, #tpu.memory_space<vmem>> -> memref<128xi32, #tpu.memory_space<vmem>>
    %dma_wait3A_33 = arith.constant 0 : i32
    %dma_wait3A_34 = arith.constant 0 : i32
    %dma_wait3A_35 = tpu.memref_slice %arg2[%dma_wait3A_33, %dma_wait3A_34] : memref<507904x128xf32, #tpu.memory_space<hbm>> -> memref<507904x128xf32, #tpu.memory_space<hbm>>
    tpu.wait_indirect_dma semaphore(%arg26 : memref<!tpu.dma_semaphore, #tpu.memory_space<semaphore_mem>>) src(%dma_wait3A_35 : memref<507904x128xf32, #tpu.memory_space<hbm>>) dst(%arg22 : memref<128x128xf32, #tpu.memory_space<vmem>>)
    %add3A_36 = arith.constant 0 : i32
    %add3A_37 = arith.addi %mul3A_2, %add3A_36 : i32
    %dma_start3A_38 = arith.constant 0 : i32
    %dma_start3A_39 = tpu.memref_slice %arg12[%add3A_37, %dma_start3A_38] : memref<16384x128xf32, #tpu.memory_space<hbm>> -> memref<128x128xf32, #tpu.memory_space<hbm>>
    %dma_start3A_40 = arith.constant 0 : i32
    %dma_start3A_41 = tpu.memref_slice %arg12[%add3A_37, %dma_start3A_40] : memref<16384x128xf32, #tpu.memory_space<hbm>> -> memref<128x128xf32, #tpu.memory_space<hbm>>
    tpu.enqueue_dma source(%arg22 : memref<128x128xf32, #tpu.memory_space<vmem>>) target(%dma_start3A_41 : memref<128x128xf32, #tpu.memory_space<hbm>>) target_semaphore(%arg27 : memref<!tpu.dma_semaphore, #tpu.memory_space<semaphore_mem>>)
    %dma_wait3A_42 = arith.constant 1 : i32
    %dma_wait3A_43 = arith.constant 0 : i32
    %dma_wait3A_44 = tpu.memref_slice %arg17[%dma_wait3A_42, %dma_wait3A_43] : memref<4x128xi32, #tpu.memory_space<vmem>> -> memref<1x128xi32, #tpu.memory_space<vmem>>
    %dma_wait3A_45 = tpu.memref_squeeze %dma_wait3A_44 : memref<1x128xi32, #tpu.memory_space<vmem>> -> memref<128xi32, #tpu.memory_space<vmem>>
    %dma_wait3A_46 = arith.constant 0 : i32
    %dma_wait3A_47 = arith.constant 0 : i32
    %dma_wait3A_48 = tpu.memref_slice %arg2[%dma_wait3A_46, %dma_wait3A_47] : memref<507904x128xf32, #tpu.memory_space<hbm>> -> memref<507904x128xf32, #tpu.memory_space<hbm>>
    tpu.wait_indirect_dma semaphore(%arg26 : memref<!tpu.dma_semaphore, #tpu.memory_space<semaphore_mem>>) src(%dma_wait3A_48 : memref<507904x128xf32, #tpu.memory_space<hbm>>) dst(%arg23 : memref<128x128xf32, #tpu.memory_space<vmem>>)
    %add3A_49 = arith.constant 128 : i32
    %add3A_50 = arith.addi %mul3A_2, %add3A_49 : i32
    %dma_start3A_51 = arith.constant 0 : i32
    %dma_start3A_52 = tpu.memref_slice %arg12[%add3A_50, %dma_start3A_51] : memref<16384x128xf32, #tpu.memory_space<hbm>> -> memref<128x128xf32, #tpu.memory_space<hbm>>
    %dma_start3A_53 = arith.constant 0 : i32
    %dma_start3A_54 = tpu.memref_slice %arg12[%add3A_50, %dma_start3A_53] : memref<16384x128xf32, #tpu.memory_space<hbm>> -> memref<128x128xf32, #tpu.memory_space<hbm>>
    tpu.enqueue_dma source(%arg23 : memref<128x128xf32, #tpu.memory_space<vmem>>) target(%dma_start3A_54 : memref<128x128xf32, #tpu.memory_space<hbm>>) target_semaphore(%arg27 : memref<!tpu.dma_semaphore, #tpu.memory_space<semaphore_mem>>)
    %dma_wait3A_55 = arith.constant 2 : i32
    %dma_wait3A_56 = arith.constant 0 : i32
    %dma_wait3A_57 = tpu.memref_slice %arg17[%dma_wait3A_55, %dma_wait3A_56] : memref<4x128xi32, #tpu.memory_space<vmem>> -> memref<1x128xi32, #tpu.memory_space<vmem>>
    %dma_wait3A_58 = tpu.memref_squeeze %dma_wait3A_57 : memref<1x128xi32, #tpu.memory_space<vmem>> -> memref<128xi32, #tpu.memory_space<vmem>>
    %dma_wait3A_59 = arith.constant 0 : i32
    %dma_wait3A_60 = arith.constant 0 : i32
    %dma_wait3A_61 = tpu.memref_slice %arg2[%dma_wait3A_59, %dma_wait3A_60] : memref<507904x128xf32, #tpu.memory_space<hbm>> -> memref<507904x128xf32, #tpu.memory_space<hbm>>
    tpu.wait_indirect_dma semaphore(%arg26 : memref<!tpu.dma_semaphore, #tpu.memory_space<semaphore_mem>>) src(%dma_wait3A_61 : memref<507904x128xf32, #tpu.memory_space<hbm>>) dst(%arg24 : memref<128x128xf32, #tpu.memory_space<vmem>>)
    %add3A_62 = arith.constant 256 : i32
    %add3A_63 = arith.addi %mul3A_2, %add3A_62 : i32
    %dma_start3A_64 = arith.constant 0 : i32
    %dma_start3A_65 = tpu.memref_slice %arg12[%add3A_63, %dma_start3A_64] : memref<16384x128xf32, #tpu.memory_space<hbm>> -> memref<128x128xf32, #tpu.memory_space<hbm>>
    %dma_start3A_66 = arith.constant 0 : i32
    %dma_start3A_67 = tpu.memref_slice %arg12[%add3A_63, %dma_start3A_66] : memref<16384x128xf32, #tpu.memory_space<hbm>> -> memref<128x128xf32, #tpu.memory_space<hbm>>
    tpu.enqueue_dma source(%arg24 : memref<128x128xf32, #tpu.memory_space<vmem>>) target(%dma_start3A_67 : memref<128x128xf32, #tpu.memory_space<hbm>>) target_semaphore(%arg27 : memref<!tpu.dma_semaphore, #tpu.memory_space<semaphore_mem>>)
    %dma_wait3A_68 = arith.constant 3 : i32
    %dma_wait3A_69 = arith.constant 0 : i32
    %dma_wait3A_70 = tpu.memref_slice %arg17[%dma_wait3A_68, %dma_wait3A_69] : memref<4x128xi32, #tpu.memory_space<vmem>> -> memref<1x128xi32, #tpu.memory_space<vmem>>
    %dma_wait3A_71 = tpu.memref_squeeze %dma_wait3A_70 : memref<1x128xi32, #tpu.memory_space<vmem>> -> memref<128xi32, #tpu.memory_space<vmem>>
    %dma_wait3A_72 = arith.constant 0 : i32
    %dma_wait3A_73 = arith.constant 0 : i32
    %dma_wait3A_74 = tpu.memref_slice %arg2[%dma_wait3A_72, %dma_wait3A_73] : memref<507904x128xf32, #tpu.memory_space<hbm>> -> memref<507904x128xf32, #tpu.memory_space<hbm>>
    tpu.wait_indirect_dma semaphore(%arg26 : memref<!tpu.dma_semaphore, #tpu.memory_space<semaphore_mem>>) src(%dma_wait3A_74 : memref<507904x128xf32, #tpu.memory_space<hbm>>) dst(%arg25 : memref<128x128xf32, #tpu.memory_space<vmem>>)
    %add3A_75 = arith.constant 384 : i32
    %add3A_76 = arith.addi %mul3A_2, %add3A_75 : i32
    %dma_start3A_77 = arith.constant 0 : i32
    %dma_start3A_78 = tpu.memref_slice %arg12[%add3A_76, %dma_start3A_77] : memref<16384x128xf32, #tpu.memory_space<hbm>> -> memref<128x128xf32, #tpu.memory_space<hbm>>
    %dma_start3A_79 = arith.constant 0 : i32
    %dma_start3A_80 = tpu.memref_slice %arg12[%add3A_76, %dma_start3A_79] : memref<16384x128xf32, #tpu.memory_space<hbm>> -> memref<128x128xf32, #tpu.memory_space<hbm>>
    tpu.enqueue_dma source(%arg25 : memref<128x128xf32, #tpu.memory_space<vmem>>) target(%dma_start3A_80 : memref<128x128xf32, #tpu.memory_space<hbm>>) target_semaphore(%arg27 : memref<!tpu.dma_semaphore, #tpu.memory_space<semaphore_mem>>)
    %dma_wait3A_81 = arith.constant 0 : i32
    %dma_wait3A_82 = tpu.memref_slice %arg12[%add3A_37, %dma_wait3A_81] : memref<16384x128xf32, #tpu.memory_space<hbm>> -> memref<128x128xf32, #tpu.memory_space<hbm>>
    %dma_wait3A_83 = arith.constant 0 : i32
    %dma_wait3A_84 = tpu.memref_slice %arg12[%add3A_37, %dma_wait3A_83] : memref<16384x128xf32, #tpu.memory_space<hbm>> -> memref<128x128xf32, #tpu.memory_space<hbm>>
    tpu.wait_dma2 semaphore(%arg27 : memref<!tpu.dma_semaphore, #tpu.memory_space<semaphore_mem>>) src(%arg22 : memref<128x128xf32, #tpu.memory_space<vmem>>) dst(%dma_wait3A_84 : memref<128x128xf32, #tpu.memory_space<hbm>>)
    %dma_wait3A_85 = arith.constant 0 : i32
    %dma_wait3A_86 = tpu.memref_slice %arg12[%add3A_50, %dma_wait3A_85] : memref<16384x128xf32, #tpu.memory_space<hbm>> -> memref<128x128xf32, #tpu.memory_space<hbm>>
    %dma_wait3A_87 = arith.constant 0 : i32
    %dma_wait3A_88 = tpu.memref_slice %arg12[%add3A_50, %dma_wait3A_87] : memref<16384x128xf32, #tpu.memory_space<hbm>> -> memref<128x128xf32, #tpu.memory_space<hbm>>
    tpu.wait_dma2 semaphore(%arg27 : memref<!tpu.dma_semaphore, #tpu.memory_space<semaphore_mem>>) src(%arg23 : memref<128x128xf32, #tpu.memory_space<vmem>>) dst(%dma_wait3A_88 : memref<128x128xf32, #tpu.memory_space<hbm>>)
    %dma_wait3A_89 = arith.constant 0 : i32
    %dma_wait3A_90 = tpu.memref_slice %arg12[%add3A_63, %dma_wait3A_89] : memref<16384x128xf32, #tpu.memory_space<hbm>> -> memref<128x128xf32, #tpu.memory_space<hbm>>
    %dma_wait3A_91 = arith.constant 0 : i32
    %dma_wait3A_92 = tpu.memref_slice %arg12[%add3A_63, %dma_wait3A_91] : memref<16384x128xf32, #tpu.memory_space<hbm>> -> memref<128x128xf32, #tpu.memory_space<hbm>>
    tpu.wait_dma2 semaphore(%arg27 : memref<!tpu.dma_semaphore, #tpu.memory_space<semaphore_mem>>) src(%arg24 : memref<128x128xf32, #tpu.memory_space<vmem>>) dst(%dma_wait3A_92 : memref<128x128xf32, #tpu.memory_space<hbm>>)
    %dma_wait3A_93 = arith.constant 0 : i32
    %dma_wait3A_94 = tpu.memref_slice %arg12[%add3A_76, %dma_wait3A_93] : memref<16384x128xf32, #tpu.memory_space<hbm>> -> memref<128x128xf32, #tpu.memory_space<hbm>>
    %dma_wait3A_95 = arith.constant 0 : i32
    %dma_wait3A_96 = tpu.memref_slice %arg12[%add3A_76, %dma_wait3A_95] : memref<16384x128xf32, #tpu.memory_space<hbm>> -> memref<128x128xf32, #tpu.memory_space<hbm>>
    tpu.wait_dma2 semaphore(%arg27 : memref<!tpu.dma_semaphore, #tpu.memory_space<semaphore_mem>>) src(%arg25 : memref<128x128xf32, #tpu.memory_space<vmem>>) dst(%dma_wait3A_96 : memref<128x128xf32, #tpu.memory_space<hbm>>)
    %dma_start3A_97 = arith.constant 0 : i32
    %dma_start3A_98 = arith.constant 0 : i32
    %dma_start3A_99 = tpu.memref_slice %arg18[%dma_start3A_97, %dma_start3A_98] : memref<4x128xi32, #tpu.memory_space<vmem>> -> memref<1x128xi32, #tpu.memory_space<vmem>>
    %dma_start3A_100 = tpu.memref_squeeze %dma_start3A_99 : memref<1x128xi32, #tpu.memory_space<vmem>> -> memref<128xi32, #tpu.memory_space<vmem>>
    %dma_start3A_101 = arith.constant 0 : i32
    %dma_start3A_102 = arith.constant 0 : i32
    %dma_start3A_103 = tpu.memref_slice %arg3[%dma_start3A_101, %dma_start3A_102] : memref<50x128xf32, #tpu.memory_space<hbm>> -> memref<50x128xf32, #tpu.memory_space<hbm>>
    tpu.enqueue_indirect_dma source(%dma_start3A_103 : memref<50x128xf32, #tpu.memory_space<hbm>>) target(%arg22 : memref<128x128xf32, #tpu.memory_space<vmem>>) offsets(%dma_start3A_100 : memref<128xi32, #tpu.memory_space<vmem>>) semaphore(%arg26 : memref<!tpu.dma_semaphore, #tpu.memory_space<semaphore_mem>>)
    %dma_start3A_104 = arith.constant 1 : i32
    %dma_start3A_105 = arith.constant 0 : i32
    %dma_start3A_106 = tpu.memref_slice %arg18[%dma_start3A_104, %dma_start3A_105] : memref<4x128xi32, #tpu.memory_space<vmem>> -> memref<1x128xi32, #tpu.memory_space<vmem>>
    %dma_start3A_107 = tpu.memref_squeeze %dma_start3A_106 : memref<1x128xi32, #tpu.memory_space<vmem>> -> memref<128xi32, #tpu.memory_space<vmem>>
    %dma_start3A_108 = arith.constant 0 : i32
    %dma_start3A_109 = arith.constant 0 : i32
    %dma_start3A_110 = tpu.memref_slice %arg3[%dma_start3A_108, %dma_start3A_109] : memref<50x128xf32, #tpu.memory_space<hbm>> -> memref<50x128xf32, #tpu.memory_space<hbm>>
    tpu.enqueue_indirect_dma source(%dma_start3A_110 : memref<50x128xf32, #tpu.memory_space<hbm>>) target(%arg23 : memref<128x128xf32, #tpu.memory_space<vmem>>) offsets(%dma_start3A_107 : memref<128xi32, #tpu.memory_space<vmem>>) semaphore(%arg26 : memref<!tpu.dma_semaphore, #tpu.memory_space<semaphore_mem>>)
    %dma_start3A_111 = arith.constant 2 : i32
    %dma_start3A_112 = arith.constant 0 : i32
    %dma_start3A_113 = tpu.memref_slice %arg18[%dma_start3A_111, %dma_start3A_112] : memref<4x128xi32, #tpu.memory_space<vmem>> -> memref<1x128xi32, #tpu.memory_space<vmem>>
    %dma_start3A_114 = tpu.memref_squeeze %dma_start3A_113 : memref<1x128xi32, #tpu.memory_space<vmem>> -> memref<128xi32, #tpu.memory_space<vmem>>
    %dma_start3A_115 = arith.constant 0 : i32
    %dma_start3A_116 = arith.constant 0 : i32
    %dma_start3A_117 = tpu.memref_slice %arg3[%dma_start3A_115, %dma_start3A_116] : memref<50x128xf32, #tpu.memory_space<hbm>> -> memref<50x128xf32, #tpu.memory_space<hbm>>
    tpu.enqueue_indirect_dma source(%dma_start3A_117 : memref<50x128xf32, #tpu.memory_space<hbm>>) target(%arg24 : memref<128x128xf32, #tpu.memory_space<vmem>>) offsets(%dma_start3A_114 : memref<128xi32, #tpu.memory_space<vmem>>) semaphore(%arg26 : memref<!tpu.dma_semaphore, #tpu.memory_space<semaphore_mem>>)
    %dma_start3A_118 = arith.constant 3 : i32
    %dma_start3A_119 = arith.constant 0 : i32
    %dma_start3A_120 = tpu.memref_slice %arg18[%dma_start3A_118, %dma_start3A_119] : memref<4x128xi32, #tpu.memory_space<vmem>> -> memref<1x128xi32, #tpu.memory_space<vmem>>
    %dma_start3A_121 = tpu.memref_squeeze %dma_start3A_120 : memref<1x128xi32, #tpu.memory_space<vmem>> -> memref<128xi32, #tpu.memory_space<vmem>>
    %dma_start3A_122 = arith.constant 0 : i32
    %dma_start3A_123 = arith.constant 0 : i32
    %dma_start3A_124 = tpu.memref_slice %arg3[%dma_start3A_122, %dma_start3A_123] : memref<50x128xf32, #tpu.memory_space<hbm>> -> memref<50x128xf32, #tpu.memory_space<hbm>>
    tpu.enqueue_indirect_dma source(%dma_start3A_124 : memref<50x128xf32, #tpu.memory_space<hbm>>) target(%arg25 : memref<128x128xf32, #tpu.memory_space<vmem>>) offsets(%dma_start3A_121 : memref<128xi32, #tpu.memory_space<vmem>>) semaphore(%arg26 : memref<!tpu.dma_semaphore, #tpu.memory_space<semaphore_mem>>)
    %dma_wait3A_125 = arith.constant 0 : i32
    %dma_wait3A_126 = arith.constant 0 : i32
    %dma_wait3A_127 = tpu.memref_slice %arg18[%dma_wait3A_125, %dma_wait3A_126] : memref<4x128xi32, #tpu.memory_space<vmem>> -> memref<1x128xi32, #tpu.memory_space<vmem>>
    %dma_wait3A_128 = tpu.memref_squeeze %dma_wait3A_127 : memref<1x128xi32, #tpu.memory_space<vmem>> -> memref<128xi32, #tpu.memory_space<vmem>>
    %dma_wait3A_129 = arith.constant 0 : i32
    %dma_wait3A_130 = arith.constant 0 : i32
    %dma_wait3A_131 = tpu.memref_slice %arg3[%dma_wait3A_129, %dma_wait3A_130] : memref<50x128xf32, #tpu.memory_space<hbm>> -> memref<50x128xf32, #tpu.memory_space<hbm>>
    tpu.wait_indirect_dma semaphore(%arg26 : memref<!tpu.dma_semaphore, #tpu.memory_space<semaphore_mem>>) src(%dma_wait3A_131 : memref<50x128xf32, #tpu.memory_space<hbm>>) dst(%arg22 : memref<128x128xf32, #tpu.memory_space<vmem>>)
    %add3A_132 = arith.constant 0 : i32
    %add3A_133 = arith.addi %mul3A_2, %add3A_132 : i32
    %dma_start3A_134 = arith.constant 0 : i32
    %dma_start3A_135 = tpu.memref_slice %arg13[%add3A_133, %dma_start3A_134] : memref<16384x128xf32, #tpu.memory_space<hbm>> -> memref<128x128xf32, #tpu.memory_space<hbm>>
    %dma_start3A_136 = arith.constant 0 : i32
    %dma_start3A_137 = tpu.memref_slice %arg13[%add3A_133, %dma_start3A_136] : memref<16384x128xf32, #tpu.memory_space<hbm>> -> memref<128x128xf32, #tpu.memory_space<hbm>>
    tpu.enqueue_dma source(%arg22 : memref<128x128xf32, #tpu.memory_space<vmem>>) target(%dma_start3A_137 : memref<128x128xf32, #tpu.memory_space<hbm>>) target_semaphore(%arg27 : memref<!tpu.dma_semaphore, #tpu.memory_space<semaphore_mem>>)
    %dma_wait3A_138 = arith.constant 1 : i32
    %dma_wait3A_139 = arith.constant 0 : i32
    %dma_wait3A_140 = tpu.memref_slice %arg18[%dma_wait3A_138, %dma_wait3A_139] : memref<4x128xi32, #tpu.memory_space<vmem>> -> memref<1x128xi32, #tpu.memory_space<vmem>>
    %dma_wait3A_141 = tpu.memref_squeeze %dma_wait3A_140 : memref<1x128xi32, #tpu.memory_space<vmem>> -> memref<128xi32, #tpu.memory_space<vmem>>
    %dma_wait3A_142 = arith.constant 0 : i32
    %dma_wait3A_143 = arith.constant 0 : i32
    %dma_wait3A_144 = tpu.memref_slice %arg3[%dma_wait3A_142, %dma_wait3A_143] : memref<50x128xf32, #tpu.memory_space<hbm>> -> memref<50x128xf32, #tpu.memory_space<hbm>>
    tpu.wait_indirect_dma semaphore(%arg26 : memref<!tpu.dma_semaphore, #tpu.memory_space<semaphore_mem>>) src(%dma_wait3A_144 : memref<50x128xf32, #tpu.memory_space<hbm>>) dst(%arg23 : memref<128x128xf32, #tpu.memory_space<vmem>>)
    %add3A_145 = arith.constant 128 : i32
    %add3A_146 = arith.addi %mul3A_2, %add3A_145 : i32
    %dma_start3A_147 = arith.constant 0 : i32
    %dma_start3A_148 = tpu.memref_slice %arg13[%add3A_146, %dma_start3A_147] : memref<16384x128xf32, #tpu.memory_space<hbm>> -> memref<128x128xf32, #tpu.memory_space<hbm>>
    %dma_start3A_149 = arith.constant 0 : i32
    %dma_start3A_150 = tpu.memref_slice %arg13[%add3A_146, %dma_start3A_149] : memref<16384x128xf32, #tpu.memory_space<hbm>> -> memref<128x128xf32, #tpu.memory_space<hbm>>
    tpu.enqueue_dma source(%arg23 : memref<128x128xf32, #tpu.memory_space<vmem>>) target(%dma_start3A_150 : memref<128x128xf32, #tpu.memory_space<hbm>>) target_semaphore(%arg27 : memref<!tpu.dma_semaphore, #tpu.memory_space<semaphore_mem>>)
    %dma_wait3A_151 = arith.constant 2 : i32
    %dma_wait3A_152 = arith.constant 0 : i32
    %dma_wait3A_153 = tpu.memref_slice %arg18[%dma_wait3A_151, %dma_wait3A_152] : memref<4x128xi32, #tpu.memory_space<vmem>> -> memref<1x128xi32, #tpu.memory_space<vmem>>
    %dma_wait3A_154 = tpu.memref_squeeze %dma_wait3A_153 : memref<1x128xi32, #tpu.memory_space<vmem>> -> memref<128xi32, #tpu.memory_space<vmem>>
    %dma_wait3A_155 = arith.constant 0 : i32
    %dma_wait3A_156 = arith.constant 0 : i32
    %dma_wait3A_157 = tpu.memref_slice %arg3[%dma_wait3A_155, %dma_wait3A_156] : memref<50x128xf32, #tpu.memory_space<hbm>> -> memref<50x128xf32, #tpu.memory_space<hbm>>
    tpu.wait_indirect_dma semaphore(%arg26 : memref<!tpu.dma_semaphore, #tpu.memory_space<semaphore_mem>>) src(%dma_wait3A_157 : memref<50x128xf32, #tpu.memory_space<hbm>>) dst(%arg24 : memref<128x128xf32, #tpu.memory_space<vmem>>)
    %add3A_158 = arith.constant 256 : i32
    %add3A_159 = arith.addi %mul3A_2, %add3A_158 : i32
    %dma_start3A_160 = arith.constant 0 : i32
    %dma_start3A_161 = tpu.memref_slice %arg13[%add3A_159, %dma_start3A_160] : memref<16384x128xf32, #tpu.memory_space<hbm>> -> memref<128x128xf32, #tpu.memory_space<hbm>>
    %dma_start3A_162 = arith.constant 0 : i32
    %dma_start3A_163 = tpu.memref_slice %arg13[%add3A_159, %dma_start3A_162] : memref<16384x128xf32, #tpu.memory_space<hbm>> -> memref<128x128xf32, #tpu.memory_space<hbm>>
    tpu.enqueue_dma source(%arg24 : memref<128x128xf32, #tpu.memory_space<vmem>>) target(%dma_start3A_163 : memref<128x128xf32, #tpu.memory_space<hbm>>) target_semaphore(%arg27 : memref<!tpu.dma_semaphore, #tpu.memory_space<semaphore_mem>>)
    %dma_wait3A_164 = arith.constant 3 : i32
    %dma_wait3A_165 = arith.constant 0 : i32
    %dma_wait3A_166 = tpu.memref_slice %arg18[%dma_wait3A_164, %dma_wait3A_165] : memref<4x128xi32, #tpu.memory_space<vmem>> -> memref<1x128xi32, #tpu.memory_space<vmem>>
    %dma_wait3A_167 = tpu.memref_squeeze %dma_wait3A_166 : memref<1x128xi32, #tpu.memory_space<vmem>> -> memref<128xi32, #tpu.memory_space<vmem>>
    %dma_wait3A_168 = arith.constant 0 : i32
    %dma_wait3A_169 = arith.constant 0 : i32
    %dma_wait3A_170 = tpu.memref_slice %arg3[%dma_wait3A_168, %dma_wait3A_169] : memref<50x128xf32, #tpu.memory_space<hbm>> -> memref<50x128xf32, #tpu.memory_space<hbm>>
    tpu.wait_indirect_dma semaphore(%arg26 : memref<!tpu.dma_semaphore, #tpu.memory_space<semaphore_mem>>) src(%dma_wait3A_170 : memref<50x128xf32, #tpu.memory_space<hbm>>) dst(%arg25 : memref<128x128xf32, #tpu.memory_space<vmem>>)
    %add3A_171 = arith.constant 384 : i32
    %add3A_172 = arith.addi %mul3A_2, %add3A_171 : i32
    %dma_start3A_173 = arith.constant 0 : i32
    %dma_start3A_174 = tpu.memref_slice %arg13[%add3A_172, %dma_start3A_173] : memref<16384x128xf32, #tpu.memory_space<hbm>> -> memref<128x128xf32, #tpu.memory_space<hbm>>
    %dma_start3A_175 = arith.constant 0 : i32
    %dma_start3A_176 = tpu.memref_slice %arg13[%add3A_172, %dma_start3A_175] : memref<16384x128xf32, #tpu.memory_space<hbm>> -> memref<128x128xf32, #tpu.memory_space<hbm>>
    tpu.enqueue_dma source(%arg25 : memref<128x128xf32, #tpu.memory_space<vmem>>) target(%dma_start3A_176 : memref<128x128xf32, #tpu.memory_space<hbm>>) target_semaphore(%arg27 : memref<!tpu.dma_semaphore, #tpu.memory_space<semaphore_mem>>)
    %dma_wait3A_177 = arith.constant 0 : i32
    %dma_wait3A_178 = tpu.memref_slice %arg13[%add3A_133, %dma_wait3A_177] : memref<16384x128xf32, #tpu.memory_space<hbm>> -> memref<128x128xf32, #tpu.memory_space<hbm>>
    %dma_wait3A_179 = arith.constant 0 : i32
    %dma_wait3A_180 = tpu.memref_slice %arg13[%add3A_133, %dma_wait3A_179] : memref<16384x128xf32, #tpu.memory_space<hbm>> -> memref<128x128xf32, #tpu.memory_space<hbm>>
    tpu.wait_dma2 semaphore(%arg27 : memref<!tpu.dma_semaphore, #tpu.memory_space<semaphore_mem>>) src(%arg22 : memref<128x128xf32, #tpu.memory_space<vmem>>) dst(%dma_wait3A_180 : memref<128x128xf32, #tpu.memory_space<hbm>>)
    %dma_wait3A_181 = arith.constant 0 : i32
    %dma_wait3A_182 = tpu.memref_slice %arg13[%add3A_146, %dma_wait3A_181] : memref<16384x128xf32, #tpu.memory_space<hbm>> -> memref<128x128xf32, #tpu.memory_space<hbm>>
    %dma_wait3A_183 = arith.constant 0 : i32
    %dma_wait3A_184 = tpu.memref_slice %arg13[%add3A_146, %dma_wait3A_183] : memref<16384x128xf32, #tpu.memory_space<hbm>> -> memref<128x128xf32, #tpu.memory_space<hbm>>
    tpu.wait_dma2 semaphore(%arg27 : memref<!tpu.dma_semaphore, #tpu.memory_space<semaphore_mem>>) src(%arg23 : memref<128x128xf32, #tpu.memory_space<vmem>>) dst(%dma_wait3A_184 : memref<128x128xf32, #tpu.memory_space<hbm>>)
    %dma_wait3A_185 = arith.constant 0 : i32
    %dma_wait3A_186 = tpu.memref_slice %arg13[%add3A_159, %dma_wait3A_185] : memref<16384x128xf32, #tpu.memory_space<hbm>> -> memref<128x128xf32, #tpu.memory_space<hbm>>
    %dma_wait3A_187 = arith.constant 0 : i32
    %dma_wait3A_188 = tpu.memref_slice %arg13[%add3A_159, %dma_wait3A_187] : memref<16384x128xf32, #tpu.memory_space<hbm>> -> memref<128x128xf32, #tpu.memory_space<hbm>>
    tpu.wait_dma2 semaphore(%arg27 : memref<!tpu.dma_semaphore, #tpu.memory_space<semaphore_mem>>) src(%arg24 : memref<128x128xf32, #tpu.memory_space<vmem>>) dst(%dma_wait3A_188 : memref<128x128xf32, #tpu.memory_space<hbm>>)
    %dma_wait3A_189 = arith.constant 0 : i32
    %dma_wait3A_190 = tpu.memref_slice %arg13[%add3A_172, %dma_wait3A_189] : memref<16384x128xf32, #tpu.memory_space<hbm>> -> memref<128x128xf32, #tpu.memory_space<hbm>>
    %dma_wait3A_191 = arith.constant 0 : i32
    %dma_wait3A_192 = tpu.memref_slice %arg13[%add3A_172, %dma_wait3A_191] : memref<16384x128xf32, #tpu.memory_space<hbm>> -> memref<128x128xf32, #tpu.memory_space<hbm>>
    tpu.wait_dma2 semaphore(%arg27 : memref<!tpu.dma_semaphore, #tpu.memory_space<semaphore_mem>>) src(%arg25 : memref<128x128xf32, #tpu.memory_space<vmem>>) dst(%dma_wait3A_192 : memref<128x128xf32, #tpu.memory_space<hbm>>)
    %dma_start3A_193 = arith.constant 0 : i32
    %dma_start3A_194 = arith.constant 0 : i32
    %dma_start3A_195 = tpu.memref_slice %arg19[%dma_start3A_193, %dma_start3A_194] : memref<4x128xi32, #tpu.memory_space<vmem>> -> memref<1x128xi32, #tpu.memory_space<vmem>>
    %dma_start3A_196 = tpu.memref_squeeze %dma_start3A_195 : memref<1x128xi32, #tpu.memory_space<vmem>> -> memref<128xi32, #tpu.memory_space<vmem>>
    %dma_start3A_197 = arith.constant 0 : i32
    %dma_start3A_198 = arith.constant 0 : i32
    %dma_start3A_199 = tpu.memref_slice %arg4[%dma_start3A_197, %dma_start3A_198] : memref<500x128xf32, #tpu.memory_space<hbm>> -> memref<500x128xf32, #tpu.memory_space<hbm>>
    tpu.enqueue_indirect_dma source(%dma_start3A_199 : memref<500x128xf32, #tpu.memory_space<hbm>>) target(%arg22 : memref<128x128xf32, #tpu.memory_space<vmem>>) offsets(%dma_start3A_196 : memref<128xi32, #tpu.memory_space<vmem>>) semaphore(%arg26 : memref<!tpu.dma_semaphore, #tpu.memory_space<semaphore_mem>>)
    %dma_start3A_200 = arith.constant 1 : i32
    %dma_start3A_201 = arith.constant 0 : i32
    %dma_start3A_202 = tpu.memref_slice %arg19[%dma_start3A_200, %dma_start3A_201] : memref<4x128xi32, #tpu.memory_space<vmem>> -> memref<1x128xi32, #tpu.memory_space<vmem>>
    %dma_start3A_203 = tpu.memref_squeeze %dma_start3A_202 : memref<1x128xi32, #tpu.memory_space<vmem>> -> memref<128xi32, #tpu.memory_space<vmem>>
    %dma_start3A_204 = arith.constant 0 : i32
    %dma_start3A_205 = arith.constant 0 : i32
    %dma_start3A_206 = tpu.memref_slice %arg4[%dma_start3A_204, %dma_start3A_205] : memref<500x128xf32, #tpu.memory_space<hbm>> -> memref<500x128xf32, #tpu.memory_space<hbm>>
    tpu.enqueue_indirect_dma source(%dma_start3A_206 : memref<500x128xf32, #tpu.memory_space<hbm>>) target(%arg23 : memref<128x128xf32, #tpu.memory_space<vmem>>) offsets(%dma_start3A_203 : memref<128xi32, #tpu.memory_space<vmem>>) semaphore(%arg26 : memref<!tpu.dma_semaphore, #tpu.memory_space<semaphore_mem>>)
    %dma_start3A_207 = arith.constant 2 : i32
    %dma_start3A_208 = arith.constant 0 : i32
    %dma_start3A_209 = tpu.memref_slice %arg19[%dma_start3A_207, %dma_start3A_208] : memref<4x128xi32, #tpu.memory_space<vmem>> -> memref<1x128xi32, #tpu.memory_space<vmem>>
    %dma_start3A_210 = tpu.memref_squeeze %dma_start3A_209 : memref<1x128xi32, #tpu.memory_space<vmem>> -> memref<128xi32, #tpu.memory_space<vmem>>
    %dma_start3A_211 = arith.constant 0 : i32
    %dma_start3A_212 = arith.constant 0 : i32
    %dma_start3A_213 = tpu.memref_slice %arg4[%dma_start3A_211, %dma_start3A_212] : memref<500x128xf32, #tpu.memory_space<hbm>> -> memref<500x128xf32, #tpu.memory_space<hbm>>
    tpu.enqueue_indirect_dma source(%dma_start3A_213 : memref<500x128xf32, #tpu.memory_space<hbm>>) target(%arg24 : memref<128x128xf32, #tpu.memory_space<vmem>>) offsets(%dma_start3A_210 : memref<128xi32, #tpu.memory_space<vmem>>) semaphore(%arg26 : memref<!tpu.dma_semaphore, #tpu.memory_space<semaphore_mem>>)
    %dma_start3A_214 = arith.constant 3 : i32
    %dma_start3A_215 = arith.constant 0 : i32
    %dma_start3A_216 = tpu.memref_slice %arg19[%dma_start3A_214, %dma_start3A_215] : memref<4x128xi32, #tpu.memory_space<vmem>> -> memref<1x128xi32, #tpu.memory_space<vmem>>
    %dma_start3A_217 = tpu.memref_squeeze %dma_start3A_216 : memref<1x128xi32, #tpu.memory_space<vmem>> -> memref<128xi32, #tpu.memory_space<vmem>>
    %dma_start3A_218 = arith.constant 0 : i32
    %dma_start3A_219 = arith.constant 0 : i32
    %dma_start3A_220 = tpu.memref_slice %arg4[%dma_start3A_218, %dma_start3A_219] : memref<500x128xf32, #tpu.memory_space<hbm>> -> memref<500x128xf32, #tpu.memory_space<hbm>>
    tpu.enqueue_indirect_dma source(%dma_start3A_220 : memref<500x128xf32, #tpu.memory_space<hbm>>) target(%arg25 : memref<128x128xf32, #tpu.memory_space<vmem>>) offsets(%dma_start3A_217 : memref<128xi32, #tpu.memory_space<vmem>>) semaphore(%arg26 : memref<!tpu.dma_semaphore, #tpu.memory_space<semaphore_mem>>)
    %dma_wait3A_221 = arith.constant 0 : i32
    %dma_wait3A_222 = arith.constant 0 : i32
    %dma_wait3A_223 = tpu.memref_slice %arg19[%dma_wait3A_221, %dma_wait3A_222] : memref<4x128xi32, #tpu.memory_space<vmem>> -> memref<1x128xi32, #tpu.memory_space<vmem>>
    %dma_wait3A_224 = tpu.memref_squeeze %dma_wait3A_223 : memref<1x128xi32, #tpu.memory_space<vmem>> -> memref<128xi32, #tpu.memory_space<vmem>>
    %dma_wait3A_225 = arith.constant 0 : i32
    %dma_wait3A_226 = arith.constant 0 : i32
    %dma_wait3A_227 = tpu.memref_slice %arg4[%dma_wait3A_225, %dma_wait3A_226] : memref<500x128xf32, #tpu.memory_space<hbm>> -> memref<500x128xf32, #tpu.memory_space<hbm>>
    tpu.wait_indirect_dma semaphore(%arg26 : memref<!tpu.dma_semaphore, #tpu.memory_space<semaphore_mem>>) src(%dma_wait3A_227 : memref<500x128xf32, #tpu.memory_space<hbm>>) dst(%arg22 : memref<128x128xf32, #tpu.memory_space<vmem>>)
    %add3A_228 = arith.constant 0 : i32
    %add3A_229 = arith.addi %mul3A_2, %add3A_228 : i32
    %dma_start3A_230 = arith.constant 0 : i32
    %dma_start3A_231 = tpu.memref_slice %arg14[%add3A_229, %dma_start3A_230] : memref<16384x128xf32, #tpu.memory_space<hbm>> -> memref<128x128xf32, #tpu.memory_space<hbm>>
    %dma_start3A_232 = arith.constant 0 : i32
    %dma_start3A_233 = tpu.memref_slice %arg14[%add3A_229, %dma_start3A_232] : memref<16384x128xf32, #tpu.memory_space<hbm>> -> memref<128x128xf32, #tpu.memory_space<hbm>>
    tpu.enqueue_dma source(%arg22 : memref<128x128xf32, #tpu.memory_space<vmem>>) target(%dma_start3A_233 : memref<128x128xf32, #tpu.memory_space<hbm>>) target_semaphore(%arg27 : memref<!tpu.dma_semaphore, #tpu.memory_space<semaphore_mem>>)
    %dma_wait3A_234 = arith.constant 1 : i32
    %dma_wait3A_235 = arith.constant 0 : i32
    %dma_wait3A_236 = tpu.memref_slice %arg19[%dma_wait3A_234, %dma_wait3A_235] : memref<4x128xi32, #tpu.memory_space<vmem>> -> memref<1x128xi32, #tpu.memory_space<vmem>>
    %dma_wait3A_237 = tpu.memref_squeeze %dma_wait3A_236 : memref<1x128xi32, #tpu.memory_space<vmem>> -> memref<128xi32, #tpu.memory_space<vmem>>
    %dma_wait3A_238 = arith.constant 0 : i32
    %dma_wait3A_239 = arith.constant 0 : i32
    %dma_wait3A_240 = tpu.memref_slice %arg4[%dma_wait3A_238, %dma_wait3A_239] : memref<500x128xf32, #tpu.memory_space<hbm>> -> memref<500x128xf32, #tpu.memory_space<hbm>>
    tpu.wait_indirect_dma semaphore(%arg26 : memref<!tpu.dma_semaphore, #tpu.memory_space<semaphore_mem>>) src(%dma_wait3A_240 : memref<500x128xf32, #tpu.memory_space<hbm>>) dst(%arg23 : memref<128x128xf32, #tpu.memory_space<vmem>>)
    %add3A_241 = arith.constant 128 : i32
    %add3A_242 = arith.addi %mul3A_2, %add3A_241 : i32
    %dma_start3A_243 = arith.constant 0 : i32
    %dma_start3A_244 = tpu.memref_slice %arg14[%add3A_242, %dma_start3A_243] : memref<16384x128xf32, #tpu.memory_space<hbm>> -> memref<128x128xf32, #tpu.memory_space<hbm>>
    %dma_start3A_245 = arith.constant 0 : i32
    %dma_start3A_246 = tpu.memref_slice %arg14[%add3A_242, %dma_start3A_245] : memref<16384x128xf32, #tpu.memory_space<hbm>> -> memref<128x128xf32, #tpu.memory_space<hbm>>
    tpu.enqueue_dma source(%arg23 : memref<128x128xf32, #tpu.memory_space<vmem>>) target(%dma_start3A_246 : memref<128x128xf32, #tpu.memory_space<hbm>>) target_semaphore(%arg27 : memref<!tpu.dma_semaphore, #tpu.memory_space<semaphore_mem>>)
    %dma_wait3A_247 = arith.constant 2 : i32
    %dma_wait3A_248 = arith.constant 0 : i32
    %dma_wait3A_249 = tpu.memref_slice %arg19[%dma_wait3A_247, %dma_wait3A_248] : memref<4x128xi32, #tpu.memory_space<vmem>> -> memref<1x128xi32, #tpu.memory_space<vmem>>
    %dma_wait3A_250 = tpu.memref_squeeze %dma_wait3A_249 : memref<1x128xi32, #tpu.memory_space<vmem>> -> memref<128xi32, #tpu.memory_space<vmem>>
    %dma_wait3A_251 = arith.constant 0 : i32
    %dma_wait3A_252 = arith.constant 0 : i32
    %dma_wait3A_253 = tpu.memref_slice %arg4[%dma_wait3A_251, %dma_wait3A_252] : memref<500x128xf32, #tpu.memory_space<hbm>> -> memref<500x128xf32, #tpu.memory_space<hbm>>
    tpu.wait_indirect_dma semaphore(%arg26 : memref<!tpu.dma_semaphore, #tpu.memory_space<semaphore_mem>>) src(%dma_wait3A_253 : memref<500x128xf32, #tpu.memory_space<hbm>>) dst(%arg24 : memref<128x128xf32, #tpu.memory_space<vmem>>)
    %add3A_254 = arith.constant 256 : i32
    %add3A_255 = arith.addi %mul3A_2, %add3A_254 : i32
    %dma_start3A_256 = arith.constant 0 : i32
    %dma_start3A_257 = tpu.memref_slice %arg14[%add3A_255, %dma_start3A_256] : memref<16384x128xf32, #tpu.memory_space<hbm>> -> memref<128x128xf32, #tpu.memory_space<hbm>>
    %dma_start3A_258 = arith.constant 0 : i32
    %dma_start3A_259 = tpu.memref_slice %arg14[%add3A_255, %dma_start3A_258] : memref<16384x128xf32, #tpu.memory_space<hbm>> -> memref<128x128xf32, #tpu.memory_space<hbm>>
    tpu.enqueue_dma source(%arg24 : memref<128x128xf32, #tpu.memory_space<vmem>>) target(%dma_start3A_259 : memref<128x128xf32, #tpu.memory_space<hbm>>) target_semaphore(%arg27 : memref<!tpu.dma_semaphore, #tpu.memory_space<semaphore_mem>>)
    %dma_wait3A_260 = arith.constant 3 : i32
    %dma_wait3A_261 = arith.constant 0 : i32
    %dma_wait3A_262 = tpu.memref_slice %arg19[%dma_wait3A_260, %dma_wait3A_261] : memref<4x128xi32, #tpu.memory_space<vmem>> -> memref<1x128xi32, #tpu.memory_space<vmem>>
    %dma_wait3A_263 = tpu.memref_squeeze %dma_wait3A_262 : memref<1x128xi32, #tpu.memory_space<vmem>> -> memref<128xi32, #tpu.memory_space<vmem>>
    %dma_wait3A_264 = arith.constant 0 : i32
    %dma_wait3A_265 = arith.constant 0 : i32
    %dma_wait3A_266 = tpu.memref_slice %arg4[%dma_wait3A_264, %dma_wait3A_265] : memref<500x128xf32, #tpu.memory_space<hbm>> -> memref<500x128xf32, #tpu.memory_space<hbm>>
    tpu.wait_indirect_dma semaphore(%arg26 : memref<!tpu.dma_semaphore, #tpu.memory_space<semaphore_mem>>) src(%dma_wait3A_266 : memref<500x128xf32, #tpu.memory_space<hbm>>) dst(%arg25 : memref<128x128xf32, #tpu.memory_space<vmem>>)
    %add3A_267 = arith.constant 384 : i32
    %add3A_268 = arith.addi %mul3A_2, %add3A_267 : i32
    %dma_start3A_269 = arith.constant 0 : i32
    %dma_start3A_270 = tpu.memref_slice %arg14[%add3A_268, %dma_start3A_269] : memref<16384x128xf32, #tpu.memory_space<hbm>> -> memref<128x128xf32, #tpu.memory_space<hbm>>
    %dma_start3A_271 = arith.constant 0 : i32
    %dma_start3A_272 = tpu.memref_slice %arg14[%add3A_268, %dma_start3A_271] : memref<16384x128xf32, #tpu.memory_space<hbm>> -> memref<128x128xf32, #tpu.memory_space<hbm>>
    tpu.enqueue_dma source(%arg25 : memref<128x128xf32, #tpu.memory_space<vmem>>) target(%dma_start3A_272 : memref<128x128xf32, #tpu.memory_space<hbm>>) target_semaphore(%arg27 : memref<!tpu.dma_semaphore, #tpu.memory_space<semaphore_mem>>)
    %dma_wait3A_273 = arith.constant 0 : i32
    %dma_wait3A_274 = tpu.memref_slice %arg14[%add3A_229, %dma_wait3A_273] : memref<16384x128xf32, #tpu.memory_space<hbm>> -> memref<128x128xf32, #tpu.memory_space<hbm>>
    %dma_wait3A_275 = arith.constant 0 : i32
    %dma_wait3A_276 = tpu.memref_slice %arg14[%add3A_229, %dma_wait3A_275] : memref<16384x128xf32, #tpu.memory_space<hbm>> -> memref<128x128xf32, #tpu.memory_space<hbm>>
    tpu.wait_dma2 semaphore(%arg27 : memref<!tpu.dma_semaphore, #tpu.memory_space<semaphore_mem>>) src(%arg22 : memref<128x128xf32, #tpu.memory_space<vmem>>) dst(%dma_wait3A_276 : memref<128x128xf32, #tpu.memory_space<hbm>>)
    %dma_wait3A_277 = arith.constant 0 : i32
    %dma_wait3A_278 = tpu.memref_slice %arg14[%add3A_242, %dma_wait3A_277] : memref<16384x128xf32, #tpu.memory_space<hbm>> -> memref<128x128xf32, #tpu.memory_space<hbm>>
    %dma_wait3A_279 = arith.constant 0 : i32
    %dma_wait3A_280 = tpu.memref_slice %arg14[%add3A_242, %dma_wait3A_279] : memref<16384x128xf32, #tpu.memory_space<hbm>> -> memref<128x128xf32, #tpu.memory_space<hbm>>
    tpu.wait_dma2 semaphore(%arg27 : memref<!tpu.dma_semaphore, #tpu.memory_space<semaphore_mem>>) src(%arg23 : memref<128x128xf32, #tpu.memory_space<vmem>>) dst(%dma_wait3A_280 : memref<128x128xf32, #tpu.memory_space<hbm>>)
    %dma_wait3A_281 = arith.constant 0 : i32
    %dma_wait3A_282 = tpu.memref_slice %arg14[%add3A_255, %dma_wait3A_281] : memref<16384x128xf32, #tpu.memory_space<hbm>> -> memref<128x128xf32, #tpu.memory_space<hbm>>
    %dma_wait3A_283 = arith.constant 0 : i32
    %dma_wait3A_284 = tpu.memref_slice %arg14[%add3A_255, %dma_wait3A_283] : memref<16384x128xf32, #tpu.memory_space<hbm>> -> memref<128x128xf32, #tpu.memory_space<hbm>>
    tpu.wait_dma2 semaphore(%arg27 : memref<!tpu.dma_semaphore, #tpu.memory_space<semaphore_mem>>) src(%arg24 : memref<128x128xf32, #tpu.memory_space<vmem>>) dst(%dma_wait3A_284 : memref<128x128xf32, #tpu.memory_space<hbm>>)
    %dma_wait3A_285 = arith.constant 0 : i32
    %dma_wait3A_286 = tpu.memref_slice %arg14[%add3A_268, %dma_wait3A_285] : memref<16384x128xf32, #tpu.memory_space<hbm>> -> memref<128x128xf32, #tpu.memory_space<hbm>>
    %dma_wait3A_287 = arith.constant 0 : i32
    %dma_wait3A_288 = tpu.memref_slice %arg14[%add3A_268, %dma_wait3A_287] : memref<16384x128xf32, #tpu.memory_space<hbm>> -> memref<128x128xf32, #tpu.memory_space<hbm>>
    tpu.wait_dma2 semaphore(%arg27 : memref<!tpu.dma_semaphore, #tpu.memory_space<semaphore_mem>>) src(%arg25 : memref<128x128xf32, #tpu.memory_space<vmem>>) dst(%dma_wait3A_288 : memref<128x128xf32, #tpu.memory_space<hbm>>)
    %dma_start3A_289 = arith.constant 0 : i32
    %dma_start3A_290 = arith.constant 0 : i32
    %dma_start3A_291 = tpu.memref_slice %arg20[%dma_start3A_289, %dma_start3A_290] : memref<4x128xi32, #tpu.memory_space<vmem>> -> memref<1x128xi32, #tpu.memory_space<vmem>>
    %dma_start3A_292 = tpu.memref_squeeze %dma_start3A_291 : memref<1x128xi32, #tpu.memory_space<vmem>> -> memref<128xi32, #tpu.memory_space<vmem>>
    %dma_start3A_293 = arith.constant 0 : i32
    %dma_start3A_294 = arith.constant 0 : i32
    %dma_start3A_295 = tpu.memref_slice %arg5[%dma_start3A_293, %dma_start3A_294] : memref<57344x128xf32, #tpu.memory_space<hbm>> -> memref<57344x128xf32, #tpu.memory_space<hbm>>
    tpu.enqueue_indirect_dma source(%dma_start3A_295 : memref<57344x128xf32, #tpu.memory_space<hbm>>) target(%arg22 : memref<128x128xf32, #tpu.memory_space<vmem>>) offsets(%dma_start3A_292 : memref<128xi32, #tpu.memory_space<vmem>>) semaphore(%arg26 : memref<!tpu.dma_semaphore, #tpu.memory_space<semaphore_mem>>)
    %dma_start3A_296 = arith.constant 1 : i32
    %dma_start3A_297 = arith.constant 0 : i32
    %dma_start3A_298 = tpu.memref_slice %arg20[%dma_start3A_296, %dma_start3A_297] : memref<4x128xi32, #tpu.memory_space<vmem>> -> memref<1x128xi32, #tpu.memory_space<vmem>>
    %dma_start3A_299 = tpu.memref_squeeze %dma_start3A_298 : memref<1x128xi32, #tpu.memory_space<vmem>> -> memref<128xi32, #tpu.memory_space<vmem>>
    %dma_start3A_300 = arith.constant 0 : i32
    %dma_start3A_301 = arith.constant 0 : i32
    %dma_start3A_302 = tpu.memref_slice %arg5[%dma_start3A_300, %dma_start3A_301] : memref<57344x128xf32, #tpu.memory_space<hbm>> -> memref<57344x128xf32, #tpu.memory_space<hbm>>
    tpu.enqueue_indirect_dma source(%dma_start3A_302 : memref<57344x128xf32, #tpu.memory_space<hbm>>) target(%arg23 : memref<128x128xf32, #tpu.memory_space<vmem>>) offsets(%dma_start3A_299 : memref<128xi32, #tpu.memory_space<vmem>>) semaphore(%arg26 : memref<!tpu.dma_semaphore, #tpu.memory_space<semaphore_mem>>)
    %dma_start3A_303 = arith.constant 2 : i32
    %dma_start3A_304 = arith.constant 0 : i32
    %dma_start3A_305 = tpu.memref_slice %arg20[%dma_start3A_303, %dma_start3A_304] : memref<4x128xi32, #tpu.memory_space<vmem>> -> memref<1x128xi32, #tpu.memory_space<vmem>>
    %dma_start3A_306 = tpu.memref_squeeze %dma_start3A_305 : memref<1x128xi32, #tpu.memory_space<vmem>> -> memref<128xi32, #tpu.memory_space<vmem>>
    %dma_start3A_307 = arith.constant 0 : i32
    %dma_start3A_308 = arith.constant 0 : i32
    %dma_start3A_309 = tpu.memref_slice %arg5[%dma_start3A_307, %dma_start3A_308] : memref<57344x128xf32, #tpu.memory_space<hbm>> -> memref<57344x128xf32, #tpu.memory_space<hbm>>
    tpu.enqueue_indirect_dma source(%dma_start3A_309 : memref<57344x128xf32, #tpu.memory_space<hbm>>) target(%arg24 : memref<128x128xf32, #tpu.memory_space<vmem>>) offsets(%dma_start3A_306 : memref<128xi32, #tpu.memory_space<vmem>>) semaphore(%arg26 : memref<!tpu.dma_semaphore, #tpu.memory_space<semaphore_mem>>)
    %dma_start3A_310 = arith.constant 3 : i32
    %dma_start3A_311 = arith.constant 0 : i32
    %dma_start3A_312 = tpu.memref_slice %arg20[%dma_start3A_310, %dma_start3A_311] : memref<4x128xi32, #tpu.memory_space<vmem>> -> memref<1x128xi32, #tpu.memory_space<vmem>>
    %dma_start3A_313 = tpu.memref_squeeze %dma_start3A_312 : memref<1x128xi32, #tpu.memory_space<vmem>> -> memref<128xi32, #tpu.memory_space<vmem>>
    %dma_start3A_314 = arith.constant 0 : i32
    %dma_start3A_315 = arith.constant 0 : i32
    %dma_start3A_316 = tpu.memref_slice %arg5[%dma_start3A_314, %dma_start3A_315] : memref<57344x128xf32, #tpu.memory_space<hbm>> -> memref<57344x128xf32, #tpu.memory_space<hbm>>
    tpu.enqueue_indirect_dma source(%dma_start3A_316 : memref<57344x128xf32, #tpu.memory_space<hbm>>) target(%arg25 : memref<128x128xf32, #tpu.memory_space<vmem>>) offsets(%dma_start3A_313 : memref<128xi32, #tpu.memory_space<vmem>>) semaphore(%arg26 : memref<!tpu.dma_semaphore, #tpu.memory_space<semaphore_mem>>)
    %dma_wait3A_317 = arith.constant 0 : i32
    %dma_wait3A_318 = arith.constant 0 : i32
    %dma_wait3A_319 = tpu.memref_slice %arg20[%dma_wait3A_317, %dma_wait3A_318] : memref<4x128xi32, #tpu.memory_space<vmem>> -> memref<1x128xi32, #tpu.memory_space<vmem>>
    %dma_wait3A_320 = tpu.memref_squeeze %dma_wait3A_319 : memref<1x128xi32, #tpu.memory_space<vmem>> -> memref<128xi32, #tpu.memory_space<vmem>>
    %dma_wait3A_321 = arith.constant 0 : i32
    %dma_wait3A_322 = arith.constant 0 : i32
    %dma_wait3A_323 = tpu.memref_slice %arg5[%dma_wait3A_321, %dma_wait3A_322] : memref<57344x128xf32, #tpu.memory_space<hbm>> -> memref<57344x128xf32, #tpu.memory_space<hbm>>
    tpu.wait_indirect_dma semaphore(%arg26 : memref<!tpu.dma_semaphore, #tpu.memory_space<semaphore_mem>>) src(%dma_wait3A_323 : memref<57344x128xf32, #tpu.memory_space<hbm>>) dst(%arg22 : memref<128x128xf32, #tpu.memory_space<vmem>>)
    %add3A_324 = arith.constant 0 : i32
    %add3A_325 = arith.addi %mul3A_2, %add3A_324 : i32
    %dma_start3A_326 = arith.constant 0 : i32
    %dma_start3A_327 = tpu.memref_slice %arg15[%add3A_325, %dma_start3A_326] : memref<16384x128xf32, #tpu.memory_space<hbm>> -> memref<128x128xf32, #tpu.memory_space<hbm>>
    %dma_start3A_328 = arith.constant 0 : i32
    %dma_start3A_329 = tpu.memref_slice %arg15[%add3A_325, %dma_start3A_328] : memref<16384x128xf32, #tpu.memory_space<hbm>> -> memref<128x128xf32, #tpu.memory_space<hbm>>
    tpu.enqueue_dma source(%arg22 : memref<128x128xf32, #tpu.memory_space<vmem>>) target(%dma_start3A_329 : memref<128x128xf32, #tpu.memory_space<hbm>>) target_semaphore(%arg27 : memref<!tpu.dma_semaphore, #tpu.memory_space<semaphore_mem>>)
    %dma_wait3A_330 = arith.constant 1 : i32
    %dma_wait3A_331 = arith.constant 0 : i32
    %dma_wait3A_332 = tpu.memref_slice %arg20[%dma_wait3A_330, %dma_wait3A_331] : memref<4x128xi32, #tpu.memory_space<vmem>> -> memref<1x128xi32, #tpu.memory_space<vmem>>
    %dma_wait3A_333 = tpu.memref_squeeze %dma_wait3A_332 : memref<1x128xi32, #tpu.memory_space<vmem>> -> memref<128xi32, #tpu.memory_space<vmem>>
    %dma_wait3A_334 = arith.constant 0 : i32
    %dma_wait3A_335 = arith.constant 0 : i32
    %dma_wait3A_336 = tpu.memref_slice %arg5[%dma_wait3A_334, %dma_wait3A_335] : memref<57344x128xf32, #tpu.memory_space<hbm>> -> memref<57344x128xf32, #tpu.memory_space<hbm>>
    tpu.wait_indirect_dma semaphore(%arg26 : memref<!tpu.dma_semaphore, #tpu.memory_space<semaphore_mem>>) src(%dma_wait3A_336 : memref<57344x128xf32, #tpu.memory_space<hbm>>) dst(%arg23 : memref<128x128xf32, #tpu.memory_space<vmem>>)
    %add3A_337 = arith.constant 128 : i32
    %add3A_338 = arith.addi %mul3A_2, %add3A_337 : i32
    %dma_start3A_339 = arith.constant 0 : i32
    %dma_start3A_340 = tpu.memref_slice %arg15[%add3A_338, %dma_start3A_339] : memref<16384x128xf32, #tpu.memory_space<hbm>> -> memref<128x128xf32, #tpu.memory_space<hbm>>
    %dma_start3A_341 = arith.constant 0 : i32
    %dma_start3A_342 = tpu.memref_slice %arg15[%add3A_338, %dma_start3A_341] : memref<16384x128xf32, #tpu.memory_space<hbm>> -> memref<128x128xf32, #tpu.memory_space<hbm>>
    tpu.enqueue_dma source(%arg23 : memref<128x128xf32, #tpu.memory_space<vmem>>) target(%dma_start3A_342 : memref<128x128xf32, #tpu.memory_space<hbm>>) target_semaphore(%arg27 : memref<!tpu.dma_semaphore, #tpu.memory_space<semaphore_mem>>)
    %dma_wait3A_343 = arith.constant 2 : i32
    %dma_wait3A_344 = arith.constant 0 : i32
    %dma_wait3A_345 = tpu.memref_slice %arg20[%dma_wait3A_343, %dma_wait3A_344] : memref<4x128xi32, #tpu.memory_space<vmem>> -> memref<1x128xi32, #tpu.memory_space<vmem>>
    %dma_wait3A_346 = tpu.memref_squeeze %dma_wait3A_345 : memref<1x128xi32, #tpu.memory_space<vmem>> -> memref<128xi32, #tpu.memory_space<vmem>>
    %dma_wait3A_347 = arith.constant 0 : i32
    %dma_wait3A_348 = arith.constant 0 : i32
    %dma_wait3A_349 = tpu.memref_slice %arg5[%dma_wait3A_347, %dma_wait3A_348] : memref<57344x128xf32, #tpu.memory_space<hbm>> -> memref<57344x128xf32, #tpu.memory_space<hbm>>
    tpu.wait_indirect_dma semaphore(%arg26 : memref<!tpu.dma_semaphore, #tpu.memory_space<semaphore_mem>>) src(%dma_wait3A_349 : memref<57344x128xf32, #tpu.memory_space<hbm>>) dst(%arg24 : memref<128x128xf32, #tpu.memory_space<vmem>>)
    %add3A_350 = arith.constant 256 : i32
    %add3A_351 = arith.addi %mul3A_2, %add3A_350 : i32
    %dma_start3A_352 = arith.constant 0 : i32
    %dma_start3A_353 = tpu.memref_slice %arg15[%add3A_351, %dma_start3A_352] : memref<16384x128xf32, #tpu.memory_space<hbm>> -> memref<128x128xf32, #tpu.memory_space<hbm>>
    %dma_start3A_354 = arith.constant 0 : i32
    %dma_start3A_355 = tpu.memref_slice %arg15[%add3A_351, %dma_start3A_354] : memref<16384x128xf32, #tpu.memory_space<hbm>> -> memref<128x128xf32, #tpu.memory_space<hbm>>
    tpu.enqueue_dma source(%arg24 : memref<128x128xf32, #tpu.memory_space<vmem>>) target(%dma_start3A_355 : memref<128x128xf32, #tpu.memory_space<hbm>>) target_semaphore(%arg27 : memref<!tpu.dma_semaphore, #tpu.memory_space<semaphore_mem>>)
    %dma_wait3A_356 = arith.constant 3 : i32
    %dma_wait3A_357 = arith.constant 0 : i32
    %dma_wait3A_358 = tpu.memref_slice %arg20[%dma_wait3A_356, %dma_wait3A_357] : memref<4x128xi32, #tpu.memory_space<vmem>> -> memref<1x128xi32, #tpu.memory_space<vmem>>
    %dma_wait3A_359 = tpu.memref_squeeze %dma_wait3A_358 : memref<1x128xi32, #tpu.memory_space<vmem>> -> memref<128xi32, #tpu.memory_space<vmem>>
    %dma_wait3A_360 = arith.constant 0 : i32
    %dma_wait3A_361 = arith.constant 0 : i32
    %dma_wait3A_362 = tpu.memref_slice %arg5[%dma_wait3A_360, %dma_wait3A_361] : memref<57344x128xf32, #tpu.memory_space<hbm>> -> memref<57344x128xf32, #tpu.memory_space<hbm>>
    tpu.wait_indirect_dma semaphore(%arg26 : memref<!tpu.dma_semaphore, #tpu.memory_space<semaphore_mem>>) src(%dma_wait3A_362 : memref<57344x128xf32, #tpu.memory_space<hbm>>) dst(%arg25 : memref<128x128xf32, #tpu.memory_space<vmem>>)
    %add3A_363 = arith.constant 384 : i32
    %add3A_364 = arith.addi %mul3A_2, %add3A_363 : i32
    %dma_start3A_365 = arith.constant 0 : i32
    %dma_start3A_366 = tpu.memref_slice %arg15[%add3A_364, %dma_start3A_365] : memref<16384x128xf32, #tpu.memory_space<hbm>> -> memref<128x128xf32, #tpu.memory_space<hbm>>
    %dma_start3A_367 = arith.constant 0 : i32
    %dma_start3A_368 = tpu.memref_slice %arg15[%add3A_364, %dma_start3A_367] : memref<16384x128xf32, #tpu.memory_space<hbm>> -> memref<128x128xf32, #tpu.memory_space<hbm>>
    tpu.enqueue_dma source(%arg25 : memref<128x128xf32, #tpu.memory_space<vmem>>) target(%dma_start3A_368 : memref<128x128xf32, #tpu.memory_space<hbm>>) target_semaphore(%arg27 : memref<!tpu.dma_semaphore, #tpu.memory_space<semaphore_mem>>)
    %dma_wait3A_369 = arith.constant 0 : i32
    %dma_wait3A_370 = tpu.memref_slice %arg15[%add3A_325, %dma_wait3A_369] : memref<16384x128xf32, #tpu.memory_space<hbm>> -> memref<128x128xf32, #tpu.memory_space<hbm>>
    %dma_wait3A_371 = arith.constant 0 : i32
    %dma_wait3A_372 = tpu.memref_slice %arg15[%add3A_325, %dma_wait3A_371] : memref<16384x128xf32, #tpu.memory_space<hbm>> -> memref<128x128xf32, #tpu.memory_space<hbm>>
    tpu.wait_dma2 semaphore(%arg27 : memref<!tpu.dma_semaphore, #tpu.memory_space<semaphore_mem>>) src(%arg22 : memref<128x128xf32, #tpu.memory_space<vmem>>) dst(%dma_wait3A_372 : memref<128x128xf32, #tpu.memory_space<hbm>>)
    %dma_wait3A_373 = arith.constant 0 : i32
    %dma_wait3A_374 = tpu.memref_slice %arg15[%add3A_338, %dma_wait3A_373] : memref<16384x128xf32, #tpu.memory_space<hbm>> -> memref<128x128xf32, #tpu.memory_space<hbm>>
    %dma_wait3A_375 = arith.constant 0 : i32
    %dma_wait3A_376 = tpu.memref_slice %arg15[%add3A_338, %dma_wait3A_375] : memref<16384x128xf32, #tpu.memory_space<hbm>> -> memref<128x128xf32, #tpu.memory_space<hbm>>
    tpu.wait_dma2 semaphore(%arg27 : memref<!tpu.dma_semaphore, #tpu.memory_space<semaphore_mem>>) src(%arg23 : memref<128x128xf32, #tpu.memory_space<vmem>>) dst(%dma_wait3A_376 : memref<128x128xf32, #tpu.memory_space<hbm>>)
    %dma_wait3A_377 = arith.constant 0 : i32
    %dma_wait3A_378 = tpu.memref_slice %arg15[%add3A_351, %dma_wait3A_377] : memref<16384x128xf32, #tpu.memory_space<hbm>> -> memref<128x128xf32, #tpu.memory_space<hbm>>
    %dma_wait3A_379 = arith.constant 0 : i32
    %dma_wait3A_380 = tpu.memref_slice %arg15[%add3A_351, %dma_wait3A_379] : memref<16384x128xf32, #tpu.memory_space<hbm>> -> memref<128x128xf32, #tpu.memory_space<hbm>>
    tpu.wait_dma2 semaphore(%arg27 : memref<!tpu.dma_semaphore, #tpu.memory_space<semaphore_mem>>) src(%arg24 : memref<128x128xf32, #tpu.memory_space<vmem>>) dst(%dma_wait3A_380 : memref<128x128xf32, #tpu.memory_space<hbm>>)
    %dma_wait3A_381 = arith.constant 0 : i32
    %dma_wait3A_382 = tpu.memref_slice %arg15[%add3A_364, %dma_wait3A_381] : memref<16384x128xf32, #tpu.memory_space<hbm>> -> memref<128x128xf32, #tpu.memory_space<hbm>>
    %dma_wait3A_383 = arith.constant 0 : i32
    %dma_wait3A_384 = tpu.memref_slice %arg15[%add3A_364, %dma_wait3A_383] : memref<16384x128xf32, #tpu.memory_space<hbm>> -> memref<128x128xf32, #tpu.memory_space<hbm>>
    tpu.wait_dma2 semaphore(%arg27 : memref<!tpu.dma_semaphore, #tpu.memory_space<semaphore_mem>>) src(%arg25 : memref<128x128xf32, #tpu.memory_space<vmem>>) dst(%dma_wait3A_384 : memref<128x128xf32, #tpu.memory_space<hbm>>)
    %dma_start3A_385 = arith.constant 0 : i32
    %dma_start3A_386 = arith.constant 0 : i32
    %dma_start3A_387 = tpu.memref_slice %arg21[%dma_start3A_385, %dma_start3A_386] : memref<4x128xi32, #tpu.memory_space<vmem>> -> memref<1x128xi32, #tpu.memory_space<vmem>>
    %dma_start3A_388 = tpu.memref_squeeze %dma_start3A_387 : memref<1x128xi32, #tpu.memory_space<vmem>> -> memref<128xi32, #tpu.memory_space<vmem>>
    %dma_start3A_389 = arith.constant 0 : i32
    %dma_start3A_390 = arith.constant 0 : i32
    %dma_start3A_391 = tpu.memref_slice %arg6[%dma_start3A_389, %dma_start3A_390] : memref<5000x128xf32, #tpu.memory_space<hbm>> -> memref<5000x128xf32, #tpu.memory_space<hbm>>
    tpu.enqueue_indirect_dma source(%dma_start3A_391 : memref<5000x128xf32, #tpu.memory_space<hbm>>) target(%arg22 : memref<128x128xf32, #tpu.memory_space<vmem>>) offsets(%dma_start3A_388 : memref<128xi32, #tpu.memory_space<vmem>>) semaphore(%arg26 : memref<!tpu.dma_semaphore, #tpu.memory_space<semaphore_mem>>)
    %dma_start3A_392 = arith.constant 1 : i32
    %dma_start3A_393 = arith.constant 0 : i32
    %dma_start3A_394 = tpu.memref_slice %arg21[%dma_start3A_392, %dma_start3A_393] : memref<4x128xi32, #tpu.memory_space<vmem>> -> memref<1x128xi32, #tpu.memory_space<vmem>>
    %dma_start3A_395 = tpu.memref_squeeze %dma_start3A_394 : memref<1x128xi32, #tpu.memory_space<vmem>> -> memref<128xi32, #tpu.memory_space<vmem>>
    %dma_start3A_396 = arith.constant 0 : i32
    %dma_start3A_397 = arith.constant 0 : i32
    %dma_start3A_398 = tpu.memref_slice %arg6[%dma_start3A_396, %dma_start3A_397] : memref<5000x128xf32, #tpu.memory_space<hbm>> -> memref<5000x128xf32, #tpu.memory_space<hbm>>
    tpu.enqueue_indirect_dma source(%dma_start3A_398 : memref<5000x128xf32, #tpu.memory_space<hbm>>) target(%arg23 : memref<128x128xf32, #tpu.memory_space<vmem>>) offsets(%dma_start3A_395 : memref<128xi32, #tpu.memory_space<vmem>>) semaphore(%arg26 : memref<!tpu.dma_semaphore, #tpu.memory_space<semaphore_mem>>)
    %dma_start3A_399 = arith.constant 2 : i32
    %dma_start3A_400 = arith.constant 0 : i32
    %dma_start3A_401 = tpu.memref_slice %arg21[%dma_start3A_399, %dma_start3A_400] : memref<4x128xi32, #tpu.memory_space<vmem>> -> memref<1x128xi32, #tpu.memory_space<vmem>>
    %dma_start3A_402 = tpu.memref_squeeze %dma_start3A_401 : memref<1x128xi32, #tpu.memory_space<vmem>> -> memref<128xi32, #tpu.memory_space<vmem>>
    %dma_start3A_403 = arith.constant 0 : i32
    %dma_start3A_404 = arith.constant 0 : i32
    %dma_start3A_405 = tpu.memref_slice %arg6[%dma_start3A_403, %dma_start3A_404] : memref<5000x128xf32, #tpu.memory_space<hbm>> -> memref<5000x128xf32, #tpu.memory_space<hbm>>
    tpu.enqueue_indirect_dma source(%dma_start3A_405 : memref<5000x128xf32, #tpu.memory_space<hbm>>) target(%arg24 : memref<128x128xf32, #tpu.memory_space<vmem>>) offsets(%dma_start3A_402 : memref<128xi32, #tpu.memory_space<vmem>>) semaphore(%arg26 : memref<!tpu.dma_semaphore, #tpu.memory_space<semaphore_mem>>)
    %dma_start3A_406 = arith.constant 3 : i32
    %dma_start3A_407 = arith.constant 0 : i32
    %dma_start3A_408 = tpu.memref_slice %arg21[%dma_start3A_406, %dma_start3A_407] : memref<4x128xi32, #tpu.memory_space<vmem>> -> memref<1x128xi32, #tpu.memory_space<vmem>>
    %dma_start3A_409 = tpu.memref_squeeze %dma_start3A_408 : memref<1x128xi32, #tpu.memory_space<vmem>> -> memref<128xi32, #tpu.memory_space<vmem>>
    %dma_start3A_410 = arith.constant 0 : i32
    %dma_start3A_411 = arith.constant 0 : i32
    %dma_start3A_412 = tpu.memref_slice %arg6[%dma_start3A_410, %dma_start3A_411] : memref<5000x128xf32, #tpu.memory_space<hbm>> -> memref<5000x128xf32, #tpu.memory_space<hbm>>
    tpu.enqueue_indirect_dma source(%dma_start3A_412 : memref<5000x128xf32, #tpu.memory_space<hbm>>) target(%arg25 : memref<128x128xf32, #tpu.memory_space<vmem>>) offsets(%dma_start3A_409 : memref<128xi32, #tpu.memory_space<vmem>>) semaphore(%arg26 : memref<!tpu.dma_semaphore, #tpu.memory_space<semaphore_mem>>)
    %dma_wait3A_413 = arith.constant 0 : i32
    %dma_wait3A_414 = arith.constant 0 : i32
    %dma_wait3A_415 = tpu.memref_slice %arg21[%dma_wait3A_413, %dma_wait3A_414] : memref<4x128xi32, #tpu.memory_space<vmem>> -> memref<1x128xi32, #tpu.memory_space<vmem>>
    %dma_wait3A_416 = tpu.memref_squeeze %dma_wait3A_415 : memref<1x128xi32, #tpu.memory_space<vmem>> -> memref<128xi32, #tpu.memory_space<vmem>>
    %dma_wait3A_417 = arith.constant 0 : i32
    %dma_wait3A_418 = arith.constant 0 : i32
    %dma_wait3A_419 = tpu.memref_slice %arg6[%dma_wait3A_417, %dma_wait3A_418] : memref<5000x128xf32, #tpu.memory_space<hbm>> -> memref<5000x128xf32, #tpu.memory_space<hbm>>
    tpu.wait_indirect_dma semaphore(%arg26 : memref<!tpu.dma_semaphore, #tpu.memory_space<semaphore_mem>>) src(%dma_wait3A_419 : memref<5000x128xf32, #tpu.memory_space<hbm>>) dst(%arg22 : memref<128x128xf32, #tpu.memory_space<vmem>>)
    %add3A_420 = arith.constant 0 : i32
    %add3A_421 = arith.addi %mul3A_2, %add3A_420 : i32
    %dma_start3A_422 = arith.constant 0 : i32
    %dma_start3A_423 = tpu.memref_slice %arg16[%add3A_421, %dma_start3A_422] : memref<16384x128xf32, #tpu.memory_space<hbm>> -> memref<128x128xf32, #tpu.memory_space<hbm>>
    %dma_start3A_424 = arith.constant 0 : i32
    %dma_start3A_425 = tpu.memref_slice %arg16[%add3A_421, %dma_start3A_424] : memref<16384x128xf32, #tpu.memory_space<hbm>> -> memref<128x128xf32, #tpu.memory_space<hbm>>
    tpu.enqueue_dma source(%arg22 : memref<128x128xf32, #tpu.memory_space<vmem>>) target(%dma_start3A_425 : memref<128x128xf32, #tpu.memory_space<hbm>>) target_semaphore(%arg27 : memref<!tpu.dma_semaphore, #tpu.memory_space<semaphore_mem>>)
    %dma_wait3A_426 = arith.constant 1 : i32
    %dma_wait3A_427 = arith.constant 0 : i32
    %dma_wait3A_428 = tpu.memref_slice %arg21[%dma_wait3A_426, %dma_wait3A_427] : memref<4x128xi32, #tpu.memory_space<vmem>> -> memref<1x128xi32, #tpu.memory_space<vmem>>
    %dma_wait3A_429 = tpu.memref_squeeze %dma_wait3A_428 : memref<1x128xi32, #tpu.memory_space<vmem>> -> memref<128xi32, #tpu.memory_space<vmem>>
    %dma_wait3A_430 = arith.constant 0 : i32
    %dma_wait3A_431 = arith.constant 0 : i32
    %dma_wait3A_432 = tpu.memref_slice %arg6[%dma_wait3A_430, %dma_wait3A_431] : memref<5000x128xf32, #tpu.memory_space<hbm>> -> memref<5000x128xf32, #tpu.memory_space<hbm>>
    tpu.wait_indirect_dma semaphore(%arg26 : memref<!tpu.dma_semaphore, #tpu.memory_space<semaphore_mem>>) src(%dma_wait3A_432 : memref<5000x128xf32, #tpu.memory_space<hbm>>) dst(%arg23 : memref<128x128xf32, #tpu.memory_space<vmem>>)
    %add3A_433 = arith.constant 128 : i32
    %add3A_434 = arith.addi %mul3A_2, %add3A_433 : i32
    %dma_start3A_435 = arith.constant 0 : i32
    %dma_start3A_436 = tpu.memref_slice %arg16[%add3A_434, %dma_start3A_435] : memref<16384x128xf32, #tpu.memory_space<hbm>> -> memref<128x128xf32, #tpu.memory_space<hbm>>
    %dma_start3A_437 = arith.constant 0 : i32
    %dma_start3A_438 = tpu.memref_slice %arg16[%add3A_434, %dma_start3A_437] : memref<16384x128xf32, #tpu.memory_space<hbm>> -> memref<128x128xf32, #tpu.memory_space<hbm>>
    tpu.enqueue_dma source(%arg23 : memref<128x128xf32, #tpu.memory_space<vmem>>) target(%dma_start3A_438 : memref<128x128xf32, #tpu.memory_space<hbm>>) target_semaphore(%arg27 : memref<!tpu.dma_semaphore, #tpu.memory_space<semaphore_mem>>)
    %dma_wait3A_439 = arith.constant 2 : i32
    %dma_wait3A_440 = arith.constant 0 : i32
    %dma_wait3A_441 = tpu.memref_slice %arg21[%dma_wait3A_439, %dma_wait3A_440] : memref<4x128xi32, #tpu.memory_space<vmem>> -> memref<1x128xi32, #tpu.memory_space<vmem>>
    %dma_wait3A_442 = tpu.memref_squeeze %dma_wait3A_441 : memref<1x128xi32, #tpu.memory_space<vmem>> -> memref<128xi32, #tpu.memory_space<vmem>>
    %dma_wait3A_443 = arith.constant 0 : i32
    %dma_wait3A_444 = arith.constant 0 : i32
    %dma_wait3A_445 = tpu.memref_slice %arg6[%dma_wait3A_443, %dma_wait3A_444] : memref<5000x128xf32, #tpu.memory_space<hbm>> -> memref<5000x128xf32, #tpu.memory_space<hbm>>
    tpu.wait_indirect_dma semaphore(%arg26 : memref<!tpu.dma_semaphore, #tpu.memory_space<semaphore_mem>>) src(%dma_wait3A_445 : memref<5000x128xf32, #tpu.memory_space<hbm>>) dst(%arg24 : memref<128x128xf32, #tpu.memory_space<vmem>>)
    %add3A_446 = arith.constant 256 : i32
    %add3A_447 = arith.addi %mul3A_2, %add3A_446 : i32
    %dma_start3A_448 = arith.constant 0 : i32
    %dma_start3A_449 = tpu.memref_slice %arg16[%add3A_447, %dma_start3A_448] : memref<16384x128xf32, #tpu.memory_space<hbm>> -> memref<128x128xf32, #tpu.memory_space<hbm>>
    %dma_start3A_450 = arith.constant 0 : i32
    %dma_start3A_451 = tpu.memref_slice %arg16[%add3A_447, %dma_start3A_450] : memref<16384x128xf32, #tpu.memory_space<hbm>> -> memref<128x128xf32, #tpu.memory_space<hbm>>
    tpu.enqueue_dma source(%arg24 : memref<128x128xf32, #tpu.memory_space<vmem>>) target(%dma_start3A_451 : memref<128x128xf32, #tpu.memory_space<hbm>>) target_semaphore(%arg27 : memref<!tpu.dma_semaphore, #tpu.memory_space<semaphore_mem>>)
    %dma_wait3A_452 = arith.constant 3 : i32
    %dma_wait3A_453 = arith.constant 0 : i32
    %dma_wait3A_454 = tpu.memref_slice %arg21[%dma_wait3A_452, %dma_wait3A_453] : memref<4x128xi32, #tpu.memory_space<vmem>> -> memref<1x128xi32, #tpu.memory_space<vmem>>
    %dma_wait3A_455 = tpu.memref_squeeze %dma_wait3A_454 : memref<1x128xi32, #tpu.memory_space<vmem>> -> memref<128xi32, #tpu.memory_space<vmem>>
    %dma_wait3A_456 = arith.constant 0 : i32
    %dma_wait3A_457 = arith.constant 0 : i32
    %dma_wait3A_458 = tpu.memref_slice %arg6[%dma_wait3A_456, %dma_wait3A_457] : memref<5000x128xf32, #tpu.memory_space<hbm>> -> memref<5000x128xf32, #tpu.memory_space<hbm>>
    tpu.wait_indirect_dma semaphore(%arg26 : memref<!tpu.dma_semaphore, #tpu.memory_space<semaphore_mem>>) src(%dma_wait3A_458 : memref<5000x128xf32, #tpu.memory_space<hbm>>) dst(%arg25 : memref<128x128xf32, #tpu.memory_space<vmem>>)
    %add3A_459 = arith.constant 384 : i32
    %add3A_460 = arith.addi %mul3A_2, %add3A_459 : i32
    %dma_start3A_461 = arith.constant 0 : i32
    %dma_start3A_462 = tpu.memref_slice %arg16[%add3A_460, %dma_start3A_461] : memref<16384x128xf32, #tpu.memory_space<hbm>> -> memref<128x128xf32, #tpu.memory_space<hbm>>
    %dma_start3A_463 = arith.constant 0 : i32
    %dma_start3A_464 = tpu.memref_slice %arg16[%add3A_460, %dma_start3A_463] : memref<16384x128xf32, #tpu.memory_space<hbm>> -> memref<128x128xf32, #tpu.memory_space<hbm>>
    tpu.enqueue_dma source(%arg25 : memref<128x128xf32, #tpu.memory_space<vmem>>) target(%dma_start3A_464 : memref<128x128xf32, #tpu.memory_space<hbm>>) target_semaphore(%arg27 : memref<!tpu.dma_semaphore, #tpu.memory_space<semaphore_mem>>)
    %dma_wait3A_465 = arith.constant 0 : i32
    %dma_wait3A_466 = tpu.memref_slice %arg16[%add3A_421, %dma_wait3A_465] : memref<16384x128xf32, #tpu.memory_space<hbm>> -> memref<128x128xf32, #tpu.memory_space<hbm>>
    %dma_wait3A_467 = arith.constant 0 : i32
    %dma_wait3A_468 = tpu.memref_slice %arg16[%add3A_421, %dma_wait3A_467] : memref<16384x128xf32, #tpu.memory_space<hbm>> -> memref<128x128xf32, #tpu.memory_space<hbm>>
    tpu.wait_dma2 semaphore(%arg27 : memref<!tpu.dma_semaphore, #tpu.memory_space<semaphore_mem>>) src(%arg22 : memref<128x128xf32, #tpu.memory_space<vmem>>) dst(%dma_wait3A_468 : memref<128x128xf32, #tpu.memory_space<hbm>>)
    %dma_wait3A_469 = arith.constant 0 : i32
    %dma_wait3A_470 = tpu.memref_slice %arg16[%add3A_434, %dma_wait3A_469] : memref<16384x128xf32, #tpu.memory_space<hbm>> -> memref<128x128xf32, #tpu.memory_space<hbm>>
    %dma_wait3A_471 = arith.constant 0 : i32
    %dma_wait3A_472 = tpu.memref_slice %arg16[%add3A_434, %dma_wait3A_471] : memref<16384x128xf32, #tpu.memory_space<hbm>> -> memref<128x128xf32, #tpu.memory_space<hbm>>
    tpu.wait_dma2 semaphore(%arg27 : memref<!tpu.dma_semaphore, #tpu.memory_space<semaphore_mem>>) src(%arg23 : memref<128x128xf32, #tpu.memory_space<vmem>>) dst(%dma_wait3A_472 : memref<128x128xf32, #tpu.memory_space<hbm>>)
    %dma_wait3A_473 = arith.constant 0 : i32
    %dma_wait3A_474 = tpu.memref_slice %arg16[%add3A_447, %dma_wait3A_473] : memref<16384x128xf32, #tpu.memory_space<hbm>> -> memref<128x128xf32, #tpu.memory_space<hbm>>
    %dma_wait3A_475 = arith.constant 0 : i32
    %dma_wait3A_476 = tpu.memref_slice %arg16[%add3A_447, %dma_wait3A_475] : memref<16384x128xf32, #tpu.memory_space<hbm>> -> memref<128x128xf32, #tpu.memory_space<hbm>>
    tpu.wait_dma2 semaphore(%arg27 : memref<!tpu.dma_semaphore, #tpu.memory_space<semaphore_mem>>) src(%arg24 : memref<128x128xf32, #tpu.memory_space<vmem>>) dst(%dma_wait3A_476 : memref<128x128xf32, #tpu.memory_space<hbm>>)
    %dma_wait3A_477 = arith.constant 0 : i32
    %dma_wait3A_478 = tpu.memref_slice %arg16[%add3A_460, %dma_wait3A_477] : memref<16384x128xf32, #tpu.memory_space<hbm>> -> memref<128x128xf32, #tpu.memory_space<hbm>>
    %dma_wait3A_479 = arith.constant 0 : i32
    %dma_wait3A_480 = tpu.memref_slice %arg16[%add3A_460, %dma_wait3A_479] : memref<16384x128xf32, #tpu.memory_space<hbm>> -> memref<128x128xf32, #tpu.memory_space<hbm>>
    tpu.wait_dma2 semaphore(%arg27 : memref<!tpu.dma_semaphore, #tpu.memory_space<semaphore_mem>>) src(%arg25 : memref<128x128xf32, #tpu.memory_space<vmem>>) dst(%dma_wait3A_480 : memref<128x128xf32, #tpu.memory_space<hbm>>)
    return
  }
}

module attributes {stable_mosaic.version = 14 : i64} {
  func.func @body(%arg0: i32, %arg1: memref<64x8192xf32, #tpu.memory_space<vmem>>, %arg2: memref<64x8192xf32, #tpu.memory_space<vmem>>, %arg3: memref<8192x128xf32, #tpu.memory_space<vmem>>) attributes {dimension_semantics = [#tpu.dimension_semantics<arbitrary>], iteration_bounds = array<i64: 7>, scalar_prefetch = 0 : i64, scratch_operands = 0 : i64, tpu.core_type = #tpu.core_type<tc>, window_params = [{transform_indices = @transform_0, window_bounds = array<i64: 64, 8192>}, {transform_indices = @transform_1, window_bounds = array<i64: 64, 8192>}, {transform_indices = @transform_2, window_bounds = array<i64: 8192, 128>}]} {
    %get3A = arith.constant 0 : index
    %get3A_0 = arith.constant 0 : index
    %get3A_1 = vector.load %arg1[%get3A, %get3A_0] : memref<64x8192xf32, #tpu.memory_space<vmem>>, vector<64x8192xf32>
    %transpose3A = tpu.transpose %get3A_1, [1, 0] : vector<64x8192xf32> -> vector<8192x64xf32>
    %get3A_2 = arith.constant 0 : index
    %get3A_3 = arith.constant 0 : index
    %get3A_4 = vector.load %arg2[%get3A_2, %get3A_3] : memref<64x8192xf32, #tpu.memory_space<vmem>>, vector<64x8192xf32>
    %transpose3A_5 = tpu.transpose %get3A_4, [1, 0] : vector<64x8192xf32> -> vector<8192x64xf32>
    %concatenate3A = tpu.concatenate %transpose3A, %transpose3A_5 in 1 : vector<8192x64xf32>, vector<8192x64xf32> -> vector<8192x128xf32>
    %swap3A = arith.constant 0 : index
    %swap3A_6 = arith.constant 0 : index
    %swap3A_7 = vector.load %arg3[%swap3A, %swap3A_6] : memref<8192x128xf32, #tpu.memory_space<vmem>>, vector<8192x128xf32>
    tpu.vector_store %arg3[%swap3A, %swap3A_6], %concatenate3A {strides = array<i32>} : memref<8192x128xf32, #tpu.memory_space<vmem>>, vector<8192x128xf32>,
    return
  }
  func.func @transform_0(%arg0: i32) -> (i32, i32) {
    %c0_i32 = arith.constant 0 : i32
    %c0_i32_0 = arith.constant 0 : i32
    return %c0_i32, %arg0 : i32, i32
  }
  func.func @transform_1(%arg0: i32) -> (i32, i32) {
    %add3A = arith.constant 7 : i32
    %add3A_0 = arith.addi %arg0, %add3A : i32
    %min3A = arith.constant 12 : i32
    %min3A_1 = arith.minsi %add3A_0, %min3A : i32
    %c0_i32 = arith.constant 0 : i32
    %c0_i32_2 = arith.constant 0 : i32
    return %c0_i32, %min3A_1 : i32, i32
  }
  func.func @transform_2(%arg0: i32) -> (i32, i32) {
    %c0_i32 = arith.constant 0 : i32
    %c0_i32_0 = arith.constant 0 : i32
    return %arg0, %c0_i32 : i32, i32
  }
}

module attributes {stable_mosaic.version = 14 : i64} {
  func.func @body(%arg0: i32, %arg1: memref<64x8192xf32, #tpu.memory_space<vmem>>, %arg2: memref<64x8192xf32, #tpu.memory_space<vmem>>, %arg3: memref<8192x128xf32, #tpu.memory_space<vmem>>) attributes {dimension_semantics = [#tpu.dimension_semantics<arbitrary>], iteration_bounds = array<i64: 62>, scalar_prefetch = 0 : i64, scratch_operands = 0 : i64, tpu.core_type = #tpu.core_type<tc>, window_params = [{transform_indices = @transform_0, window_bounds = array<i64: 64, 8192>}, {transform_indices = @transform_1, window_bounds = array<i64: 64, 8192>}, {transform_indices = @transform_2, window_bounds = array<i64: 8192, 128>}]} {
    %get3A = arith.constant 0 : index
    %get3A_0 = arith.constant 0 : index
    %get3A_1 = vector.load %arg1[%get3A, %get3A_0] : memref<64x8192xf32, #tpu.memory_space<vmem>>, vector<64x8192xf32>
    %transpose3A = tpu.transpose %get3A_1, [1, 0] : vector<64x8192xf32> -> vector<8192x64xf32>
    %get3A_2 = arith.constant 0 : index
    %get3A_3 = arith.constant 0 : index
    %get3A_4 = vector.load %arg2[%get3A_2, %get3A_3] : memref<64x8192xf32, #tpu.memory_space<vmem>>, vector<64x8192xf32>
    %transpose3A_5 = tpu.transpose %get3A_4, [1, 0] : vector<64x8192xf32> -> vector<8192x64xf32>
    %concatenate3A = tpu.concatenate %transpose3A, %transpose3A_5 in 1 : vector<8192x64xf32>, vector<8192x64xf32> -> vector<8192x128xf32>
    %swap3A = arith.constant 0 : index
    %swap3A_6 = arith.constant 0 : index
    %swap3A_7 = vector.load %arg3[%swap3A, %swap3A_6] : memref<8192x128xf32, #tpu.memory_space<vmem>>, vector<8192x128xf32>
    tpu.vector_store %arg3[%swap3A, %swap3A_6], %concatenate3A {strides = array<i32>} : memref<8192x128xf32, #tpu.memory_space<vmem>>, vector<8192x128xf32>,
    return
  }
  func.func @transform_0(%arg0: i32) -> (i32, i32) {
    %c0_i32 = arith.constant 0 : i32
    %c0_i32_0 = arith.constant 0 : i32
    return %c0_i32, %arg0 : i32, i32
  }
  func.func @transform_1(%arg0: i32) -> (i32, i32) {
    %add3A = arith.constant 62 : i32
    %add3A_0 = arith.addi %arg0, %add3A : i32
    %min3A = arith.constant 122 : i32
    %min3A_1 = arith.minsi %add3A_0, %min3A : i32
    %c0_i32 = arith.constant 0 : i32
    %c0_i32_2 = arith.constant 0 : i32
    return %c0_i32, %min3A_1 : i32, i32
  }
  func.func @transform_2(%arg0: i32) -> (i32, i32) {
    %c0_i32 = arith.constant 0 : i32
    %c0_i32_0 = arith.constant 0 : i32
    return %arg0, %c0_i32 : i32, i32
  }
}

module attributes {stable_mosaic.version = 14 : i64} {
  func.func @body(%arg0: i32, %arg1: memref<2048x768xf32, #tpu.memory_space<vmem>>, %arg2: memref<768x64xf32, #tpu.memory_space<vmem>>, %arg3: memref<1x64xf32, #tpu.memory_space<vmem>>, %arg4: memref<2048x64xf32, #tpu.memory_space<vmem>>) attributes {dimension_semantics = [#tpu.dimension_semantics<arbitrary>], iteration_bounds = array<i64: 8>, scalar_prefetch = 0 : i64, scratch_operands = 0 : i64, tpu.core_type = #tpu.core_type<tc>, window_params = [{transform_indices = @transform_0, window_bounds = array<i64: 2048, 768>}, {pipeline_mode = #tpu.pipeline_mode<synchronous>, transform_indices = @transform_1, window_bounds = array<i64: 768, 64>}, {pipeline_mode = #tpu.pipeline_mode<synchronous>, transform_indices = @transform_2, window_bounds = array<i64: 1, 64>}, {transform_indices = @transform_3, window_bounds = array<i64: 2048, 64>}]} {
    %get3A = arith.constant 0 : index
    %get3A_0 = arith.constant 0 : index
    %get3A_1 = vector.load %arg1[%get3A, %get3A_0] : memref<2048x768xf32, #tpu.memory_space<vmem>>, vector<2048x768xf32>
    %get3A_2 = arith.constant 0 : index
    %get3A_3 = arith.constant 0 : index
    %get3A_4 = vector.load %arg2[%get3A_2, %get3A_3] : memref<768x64xf32, #tpu.memory_space<vmem>>, vector<768x64xf32>
    %dot_general3A = arith.constant dense<0.000000e+00> : vector<2048x64xf32>
    %dot_general3A_5 = tpu.matmul %get3A_1, %get3A_4, %dot_general3A {dimension_numbers = #tpu.dot_dimension_numbers<[1], [0], [0], [1], [0, 0, 1, 1], [], []>, transpose_lhs_hint = false} : vector<2048x768xf32>, vector<768x64xf32>, vector<2048x64xf32> -> vector<2048x64xf32>
    %get3A_6 = arith.constant 0 : index
    %get3A_7 = arith.constant 0 : index
    %get3A_8 = vector.load %arg3[%get3A_6, %get3A_7] : memref<1x64xf32, #tpu.memory_space<vmem>>, vector<1x64xf32>
    %add3A = vector.broadcast %get3A_8 : vector<1x64xf32> to vector<2048x64xf32>
    %add3A_9 = arith.addf %dot_general3A_5, %add3A : vector<2048x64xf32>
    %swap3A = arith.constant 0 : index
    %swap3A_10 = arith.constant 0 : index
    %swap3A_11 = vector.load %arg4[%swap3A, %swap3A_10] : memref<2048x64xf32, #tpu.memory_space<vmem>>, vector<2048x64xf32>
    tpu.vector_store %arg4[%swap3A, %swap3A_10], %add3A_9 {strides = array<i32>} : memref<2048x64xf32, #tpu.memory_space<vmem>>, vector<2048x64xf32>,
    return
  }
  func.func @transform_0(%arg0: i32) -> (i32, i32) {
    %c0_i32 = arith.constant 0 : i32
    %c0_i32_0 = arith.constant 0 : i32
    return %arg0, %c0_i32 : i32, i32
  }
  func.func @transform_1(%arg0: i32) -> (i32, i32) {
    %c0_i32 = arith.constant 0 : i32
    %c0_i32_0 = arith.constant 0 : i32
    %c0_i32_1 = arith.constant 0 : i32
    return %c0_i32, %c0_i32_0 : i32, i32
  }
  func.func @transform_2(%arg0: i32) -> (i32, i32) {
    %c0_i32 = arith.constant 0 : i32
    %c0_i32_0 = arith.constant 0 : i32
    %c0_i32_1 = arith.constant 0 : i32
    return %c0_i32, %c0_i32_0 : i32, i32
  }
  func.func @transform_3(%arg0: i32) -> (i32, i32) {
    %c0_i32 = arith.constant 0 : i32
    %c0_i32_0 = arith.constant 0 : i32
    return %arg0, %c0_i32 : i32, i32
  }
}

module attributes {stable_mosaic.version = 14 : i64} {
  func.func @body(%arg0: i32, %arg1: memref<2048x128xf32, #tpu.memory_space<vmem>>, %arg2: memref<2048x128xf32, #tpu.memory_space<vmem>>, %arg3: memref<2048x128xf32, #tpu.memory_space<vmem>>, %arg4: memref<2048x128xf32, #tpu.memory_space<vmem>>, %arg5: memref<2048x128xf32, #tpu.memory_space<vmem>>, %arg6: memref<2048x8xf32, #tpu.memory_space<vmem>>, %arg7: memref<2048x64xf32, #tpu.memory_space<vmem>>, %arg8: memref<64x256xf32, #tpu.memory_space<vmem>>, %arg9: memref<64x256xf32, #tpu.memory_space<vmem>>, %arg10: memref<64x256xf32, #tpu.memory_space<vmem>>, %arg11: memref<1x256xf32, #tpu.memory_space<vmem>>, %arg12: memref<256x128xf32, #tpu.memory_space<vmem>>, %arg13: memref<1x128xf32, #tpu.memory_space<vmem>>, %arg14: memref<128x64xf32, #tpu.memory_space<vmem>>, %arg15: memref<1x64xf32, #tpu.memory_space<vmem>>, %arg16: memref<64x256xf32, #tpu.memory_space<vmem>>, %arg17: memref<64x256xf32, #tpu.memory_space<vmem>>, %arg18: memref<64x256xf32, #tpu.memory_space<vmem>>, %arg19: memref<1x256xf32, #tpu.memory_space<vmem>>, %arg20: memref<256x128xf32, #tpu.memory_space<vmem>>, %arg21: memref<1x128xf32, #tpu.memory_space<vmem>>, %arg22: memref<128x64xf32, #tpu.memory_space<vmem>>, %arg23: memref<1x64xf32, #tpu.memory_space<vmem>>, %arg24: memref<2048x64xf32, #tpu.memory_space<vmem>>, %arg25: memref<2048x64xf32, #tpu.memory_space<vmem>>) attributes {dimension_semantics = [#tpu.dimension_semantics<arbitrary>], iteration_bounds = array<i64: 8>, scalar_prefetch = 0 : i64, scratch_operands = 0 : i64, tpu.core_type = #tpu.core_type<tc>, window_params = [{transform_indices = @transform_0, window_bounds = array<i64: 2048, 128>}, {transform_indices = @transform_1, window_bounds = array<i64: 2048, 128>}, {transform_indices = @transform_2, window_bounds = array<i64: 2048, 128>}, {transform_indices = @transform_3, window_bounds = array<i64: 2048, 128>}, {transform_indices = @transform_4, window_bounds = array<i64: 2048, 128>}, {transform_indices = @transform_5, window_bounds = array<i64: 2048, 8>}, {transform_indices = @transform_6, window_bounds = array<i64: 2048, 64>}, {pipeline_mode = #tpu.pipeline_mode<synchronous>, transform_indices = @transform_7, window_bounds = array<i64: 64, 256>}, {pipeline_mode = #tpu.pipeline_mode<synchronous>, transform_indices = @transform_8, window_bounds = array<i64: 64, 256>}, {pipeline_mode = #tpu.pipeline_mode<synchronous>, transform_indices = @transform_9, window_bounds = array<i64: 64, 256>}, {pipeline_mode = #tpu.pipeline_mode<synchronous>, transform_indices = @transform_10, window_bounds = array<i64: 1, 256>}, {pipeline_mode = #tpu.pipeline_mode<synchronous>, transform_indices = @transform_11, window_bounds = array<i64: 256, 128>}, {pipeline_mode = #tpu.pipeline_mode<synchronous>, transform_indices = @transform_12, window_bounds = array<i64: 1, 128>}, {pipeline_mode = #tpu.pipeline_mode<synchronous>, transform_indices = @transform_13, window_bounds = array<i64: 128, 64>}, {pipeline_mode = #tpu.pipeline_mode<synchronous>, transform_indices = @transform_14, window_bounds = array<i64: 1, 64>}, {pipeline_mode = #tpu.pipeline_mode<synchronous>, transform_indices = @transform_15, window_bounds = array<i64: 64, 256>}, {pipeline_mode = #tpu.pipeline_mode<synchronous>, transform_indices = @transform_16, window_bounds = array<i64: 64, 256>}, {pipeline_mode = #tpu.pipeline_mode<synchronous>, transform_indices = @transform_17, window_bounds = array<i64: 64, 256>}, {pipeline_mode = #tpu.pipeline_mode<synchronous>, transform_indices = @transform_18, window_bounds = array<i64: 1, 256>}, {pipeline_mode = #tpu.pipeline_mode<synchronous>, transform_indices = @transform_19, window_bounds = array<i64: 256, 128>}, {pipeline_mode = #tpu.pipeline_mode<synchronous>, transform_indices = @transform_20, window_bounds = array<i64: 1, 128>}, {pipeline_mode = #tpu.pipeline_mode<synchronous>, transform_indices = @transform_21, window_bounds = array<i64: 128, 64>}, {pipeline_mode = #tpu.pipeline_mode<synchronous>, transform_indices = @transform_22, window_bounds = array<i64: 1, 64>}, {transform_indices = @transform_23, window_bounds = array<i64: 2048, 64>}, {transform_indices = @transform_24, window_bounds = array<i64: 2048, 64>}]} {
    %get3A = arith.constant 0 : index
    %get3A_0 = arith.constant 0 : index
    %get3A_1 = vector.load %arg6[%get3A, %get3A_0] : memref<2048x8xf32, #tpu.memory_space<vmem>>, vector<2048x8xf32>
    %slice3A = vector.extract_strided_slice %get3A_1 {offsets = [0, 0], sizes = [2048, 1], strides = [1, 1]} : vector<2048x8xf32> to vector<2048x1xf32>
    %gt3A = arith.constant 5.000000e-01 : f32
    %gt3A_2 = vector.broadcast %gt3A : f32 to vector<2048x1xf32>
    %gt3A_3 = arith.cmpf ogt, %slice3A, %gt3A_2 : vector<2048x1xf32>
    %get3A_4 = arith.constant 0 : index
    %get3A_5 = arith.constant 64 : index
    %get3A_6 = vector.load %arg1[%get3A_4, %get3A_5] : memref<2048x128xf32, #tpu.memory_space<vmem>>, vector<2048x64xf32>
    %get3A_7 = arith.constant 0 : index
    %get3A_8 = arith.constant 0 : index
    %get3A_9 = vector.load %arg1[%get3A_7, %get3A_8] : memref<2048x128xf32, #tpu.memory_space<vmem>>, vector<2048x64xf32>
    %broadcast_in_dim3A = vector.shape_cast %gt3A_3 : vector<2048x1xi1> to vector<2048x1xi1>
    %broadcast_in_dim3A_10 = vector.broadcast %broadcast_in_dim3A : vector<2048x1xi1> to vector<2048x64xi1>
    %select_n3A = arith.select %broadcast_in_dim3A_10, %get3A_6, %get3A_9 : vector<2048x64xi1>, vector<2048x64xf32>
    %get3A_11 = arith.constant 0 : index
    %get3A_12 = arith.constant 0 : index
    %get3A_13 = vector.load %arg8[%get3A_11, %get3A_12] : memref<64x256xf32, #tpu.memory_space<vmem>>, vector<64x256xf32>
    %convert_element_type3A = arith.truncf %select_n3A : vector<2048x64xf32> to vector<2048x64xbf16>
    %convert_element_type3A_14 = arith.truncf %get3A_13 : vector<64x256xf32> to vector<64x256xbf16>
    %dot_general3A = arith.constant dense<0.000000e+00> : vector<2048x256xf32>
    %dot_general3A_15 = tpu.matmul %convert_element_type3A, %convert_element_type3A_14, %dot_general3A {dimension_numbers = #tpu.dot_dimension_numbers<[1], [0], [0], [1], [0, 0, 1, 1], [], []>, transpose_lhs_hint = false} : vector<2048x64xbf16>, vector<64x256xbf16>, vector<2048x256xf32> -> vector<2048x256xf32>
    %slice3A_16 = vector.extract_strided_slice %get3A_1 {offsets = [0, 1], sizes = [2048, 1], strides = [1, 1]} : vector<2048x8xf32> to vector<2048x1xf32>
    %gt3A_17 = arith.constant 5.000000e-01 : f32
    %gt3A_18 = vector.broadcast %gt3A_17 : f32 to vector<2048x1xf32>
    %gt3A_19 = arith.cmpf ogt, %slice3A_16, %gt3A_18 : vector<2048x1xf32>
    %get3A_20 = arith.constant 0 : index
    %get3A_21 = arith.constant 64 : index
    %get3A_22 = vector.load %arg2[%get3A_20, %get3A_21] : memref<2048x128xf32, #tpu.memory_space<vmem>>, vector<2048x64xf32>
    %get3A_23 = arith.constant 0 : index
    %get3A_24 = arith.constant 0 : index
    %get3A_25 = vector.load %arg2[%get3A_23, %get3A_24] : memref<2048x128xf32, #tpu.memory_space<vmem>>, vector<2048x64xf32>
    %broadcast_in_dim3A_26 = vector.shape_cast %gt3A_19 : vector<2048x1xi1> to vector<2048x1xi1>
    %broadcast_in_dim3A_27 = vector.broadcast %broadcast_in_dim3A_26 : vector<2048x1xi1> to vector<2048x64xi1>
    %select_n3A_28 = arith.select %broadcast_in_dim3A_27, %get3A_22, %get3A_25 : vector<2048x64xi1>, vector<2048x64xf32>
    %get3A_29 = arith.constant 0 : index
    %get3A_30 = arith.constant 0 : index
    %get3A_31 = vector.load %arg9[%get3A_29, %get3A_30] : memref<64x256xf32, #tpu.memory_space<vmem>>, vector<64x256xf32>
    %convert_element_type3A_32 = arith.truncf %select_n3A_28 : vector<2048x64xf32> to vector<2048x64xbf16>
    %convert_element_type3A_33 = arith.truncf %get3A_31 : vector<64x256xf32> to vector<64x256xbf16>
    %dot_general3A_34 = arith.constant dense<0.000000e+00> : vector<2048x256xf32>
    %dot_general3A_35 = tpu.matmul %convert_element_type3A_32, %convert_element_type3A_33, %dot_general3A_34 {dimension_numbers = #tpu.dot_dimension_numbers<[1], [0], [0], [1], [0, 0, 1, 1], [], []>, transpose_lhs_hint = false} : vector<2048x64xbf16>, vector<64x256xbf16>, vector<2048x256xf32> -> vector<2048x256xf32>
    %add3A = arith.addf %dot_general3A_15, %dot_general3A_35 : vector<2048x256xf32>
    %slice3A_36 = vector.extract_strided_slice %get3A_1 {offsets = [0, 2], sizes = [2048, 1], strides = [1, 1]} : vector<2048x8xf32> to vector<2048x1xf32>
    %gt3A_37 = arith.constant 5.000000e-01 : f32
    %gt3A_38 = vector.broadcast %gt3A_37 : f32 to vector<2048x1xf32>
    %gt3A_39 = arith.cmpf ogt, %slice3A_36, %gt3A_38 : vector<2048x1xf32>
    %get3A_40 = arith.constant 0 : index
    %get3A_41 = arith.constant 64 : index
    %get3A_42 = vector.load %arg3[%get3A_40, %get3A_41] : memref<2048x128xf32, #tpu.memory_space<vmem>>, vector<2048x64xf32>
    %get3A_43 = arith.constant 0 : index
    %get3A_44 = arith.constant 0 : index
    %get3A_45 = vector.load %arg3[%get3A_43, %get3A_44] : memref<2048x128xf32, #tpu.memory_space<vmem>>, vector<2048x64xf32>
    %broadcast_in_dim3A_46 = vector.shape_cast %gt3A_39 : vector<2048x1xi1> to vector<2048x1xi1>
    %broadcast_in_dim3A_47 = vector.broadcast %broadcast_in_dim3A_46 : vector<2048x1xi1> to vector<2048x64xi1>
    %select_n3A_48 = arith.select %broadcast_in_dim3A_47, %get3A_42, %get3A_45 : vector<2048x64xi1>, vector<2048x64xf32>
    %get3A_49 = arith.constant 0 : index
    %get3A_50 = arith.constant 0 : index
    %get3A_51 = vector.load %arg10[%get3A_49, %get3A_50] : memref<64x256xf32, #tpu.memory_space<vmem>>, vector<64x256xf32>
    %convert_element_type3A_52 = arith.truncf %select_n3A_48 : vector<2048x64xf32> to vector<2048x64xbf16>
    %convert_element_type3A_53 = arith.truncf %get3A_51 : vector<64x256xf32> to vector<64x256xbf16>
    %dot_general3A_54 = arith.constant dense<0.000000e+00> : vector<2048x256xf32>
    %dot_general3A_55 = tpu.matmul %convert_element_type3A_52, %convert_element_type3A_53, %dot_general3A_54 {dimension_numbers = #tpu.dot_dimension_numbers<[1], [0], [0], [1], [0, 0, 1, 1], [], []>, transpose_lhs_hint = false} : vector<2048x64xbf16>, vector<64x256xbf16>, vector<2048x256xf32> -> vector<2048x256xf32>
    %add3A_56 = arith.addf %add3A, %dot_general3A_55 : vector<2048x256xf32>
    %get3A_57 = arith.constant 0 : index
    %get3A_58 = arith.constant 0 : index
    %get3A_59 = vector.load %arg11[%get3A_57, %get3A_58] : memref<1x256xf32, #tpu.memory_space<vmem>>, vector<1x256xf32>
    %add3A_60 = vector.broadcast %get3A_59 : vector<1x256xf32> to vector<2048x256xf32>
    %add3A_61 = arith.addf %add3A_56, %add3A_60 : vector<2048x256xf32>
    %max3A = arith.constant 0.000000e+00 : f32
    %max3A_62 = vector.broadcast %max3A : f32 to vector<2048x256xf32>
    %max3A_63 = arith.maximumf %add3A_61, %max3A_62 : vector<2048x256xf32>
    %get3A_64 = arith.constant 0 : index
    %get3A_65 = arith.constant 0 : index
    %get3A_66 = vector.load %arg12[%get3A_64, %get3A_65] : memref<256x128xf32, #tpu.memory_space<vmem>>, vector<256x128xf32>
    %convert_element_type3A_67 = arith.truncf %max3A_63 : vector<2048x256xf32> to vector<2048x256xbf16>
    %convert_element_type3A_68 = arith.truncf %get3A_66 : vector<256x128xf32> to vector<256x128xbf16>
    %dot_general3A_69 = arith.constant dense<0.000000e+00> : vector<2048x128xf32>
    %dot_general3A_70 = tpu.matmul %convert_element_type3A_67, %convert_element_type3A_68, %dot_general3A_69 {dimension_numbers = #tpu.dot_dimension_numbers<[1], [0], [0], [1], [0, 0, 1, 1], [], []>, transpose_lhs_hint = false} : vector<2048x256xbf16>, vector<256x128xbf16>, vector<2048x128xf32> -> vector<2048x128xf32>
    %get3A_71 = arith.constant 0 : index
    %get3A_72 = arith.constant 0 : index
    %get3A_73 = vector.load %arg13[%get3A_71, %get3A_72] : memref<1x128xf32, #tpu.memory_space<vmem>>, vector<1x128xf32>
    %add3A_74 = vector.broadcast %get3A_73 : vector<1x128xf32> to vector<2048x128xf32>
    %add3A_75 = arith.addf %dot_general3A_70, %add3A_74 : vector<2048x128xf32>
    %max3A_76 = arith.constant 0.000000e+00 : f32
    %max3A_77 = vector.broadcast %max3A_76 : f32 to vector<2048x128xf32>
    %max3A_78 = arith.maximumf %add3A_75, %max3A_77 : vector<2048x128xf32>
    %get3A_79 = arith.constant 0 : index
    %get3A_80 = arith.constant 0 : index
    %get3A_81 = vector.load %arg14[%get3A_79, %get3A_80] : memref<128x64xf32, #tpu.memory_space<vmem>>, vector<128x64xf32>
    %convert_element_type3A_82 = arith.truncf %max3A_78 : vector<2048x128xf32> to vector<2048x128xbf16>
    %convert_element_type3A_83 = arith.truncf %get3A_81 : vector<128x64xf32> to vector<128x64xbf16>
    %dot_general3A_84 = arith.constant dense<0.000000e+00> : vector<2048x64xf32>
    %dot_general3A_85 = tpu.matmul %convert_element_type3A_82, %convert_element_type3A_83, %dot_general3A_84 {dimension_numbers = #tpu.dot_dimension_numbers<[1], [0], [0], [1], [0, 0, 1, 1], [], []>, transpose_lhs_hint = false} : vector<2048x128xbf16>, vector<128x64xbf16>, vector<2048x64xf32> -> vector<2048x64xf32>
    %get3A_86 = arith.constant 0 : index
    %get3A_87 = arith.constant 0 : index
    %get3A_88 = vector.load %arg15[%get3A_86, %get3A_87] : memref<1x64xf32, #tpu.memory_space<vmem>>, vector<1x64xf32>
    %add3A_89 = vector.broadcast %get3A_88 : vector<1x64xf32> to vector<2048x64xf32>
    %add3A_90 = arith.addf %dot_general3A_85, %add3A_89 : vector<2048x64xf32>
    %mul3A = arith.mulf %add3A_90, %add3A_90 : vector<2048x64xf32>
    %reduce_sum3A = arith.constant dense<0.000000e+00> : vector<2048xf32>
    %reduce_sum3A_91 = vector.multi_reduction <add>, %mul3A, %reduce_sum3A [1] : vector<2048x64xf32> to vector<2048xf32>
    %broadcast_in_dim3A_92 = vector.shape_cast %reduce_sum3A_91 : vector<2048xf32> to vector<2048x1xf32>
    %sqrt3A = math.sqrt %broadcast_in_dim3A_92 : vector<2048x1xf32>
    %max3A_93 = arith.constant 9.99999996E-13 : f32
    %max3A_94 = vector.broadcast %max3A_93 : f32 to vector<2048x1xf32>
    %max3A_95 = arith.maximumf %sqrt3A, %max3A_94 : vector<2048x1xf32>
    %div3A = vector.broadcast %max3A_95 : vector<2048x1xf32> to vector<2048x64xf32>
    %div3A_96 = arith.divf %add3A_90, %div3A : vector<2048x64xf32>
    %swap3A = arith.constant 0 : index
    %swap3A_97 = arith.constant 0 : index
    %swap3A_98 = vector.load %arg24[%swap3A, %swap3A_97] : memref<2048x64xf32, #tpu.memory_space<vmem>>, vector<2048x64xf32>
    tpu.vector_store %arg24[%swap3A, %swap3A_97], %div3A_96 {strides = array<i32>} : memref<2048x64xf32, #tpu.memory_space<vmem>>, vector<2048x64xf32>,
    %slice3A_99 = vector.extract_strided_slice %get3A_1 {offsets = [0, 3], sizes = [2048, 1], strides = [1, 1]} : vector<2048x8xf32> to vector<2048x1xf32>
    %gt3A_100 = arith.constant 5.000000e-01 : f32
    %gt3A_101 = vector.broadcast %gt3A_100 : f32 to vector<2048x1xf32>
    %gt3A_102 = arith.cmpf ogt, %slice3A_99, %gt3A_101 : vector<2048x1xf32>
    %get3A_103 = arith.constant 0 : index
    %get3A_104 = arith.constant 64 : index
    %get3A_105 = vector.load %arg4[%get3A_103, %get3A_104] : memref<2048x128xf32, #tpu.memory_space<vmem>>, vector<2048x64xf32>
    %get3A_106 = arith.constant 0 : index
    %get3A_107 = arith.constant 0 : index
    %get3A_108 = vector.load %arg4[%get3A_106, %get3A_107] : memref<2048x128xf32, #tpu.memory_space<vmem>>, vector<2048x64xf32>
    %broadcast_in_dim3A_109 = vector.shape_cast %gt3A_102 : vector<2048x1xi1> to vector<2048x1xi1>
    %broadcast_in_dim3A_110 = vector.broadcast %broadcast_in_dim3A_109 : vector<2048x1xi1> to vector<2048x64xi1>
    %select_n3A_111 = arith.select %broadcast_in_dim3A_110, %get3A_105, %get3A_108 : vector<2048x64xi1>, vector<2048x64xf32>
    %get3A_112 = arith.constant 0 : index
    %get3A_113 = arith.constant 0 : index
    %get3A_114 = vector.load %arg16[%get3A_112, %get3A_113] : memref<64x256xf32, #tpu.memory_space<vmem>>, vector<64x256xf32>
    %convert_element_type3A_115 = arith.truncf %select_n3A_111 : vector<2048x64xf32> to vector<2048x64xbf16>
    %convert_element_type3A_116 = arith.truncf %get3A_114 : vector<64x256xf32> to vector<64x256xbf16>
    %dot_general3A_117 = arith.constant dense<0.000000e+00> : vector<2048x256xf32>
    %dot_general3A_118 = tpu.matmul %convert_element_type3A_115, %convert_element_type3A_116, %dot_general3A_117 {dimension_numbers = #tpu.dot_dimension_numbers<[1], [0], [0], [1], [0, 0, 1, 1], [], []>, transpose_lhs_hint = false} : vector<2048x64xbf16>, vector<64x256xbf16>, vector<2048x256xf32> -> vector<2048x256xf32>
    %slice3A_119 = vector.extract_strided_slice %get3A_1 {offsets = [0, 4], sizes = [2048, 1], strides = [1, 1]} : vector<2048x8xf32> to vector<2048x1xf32>
    %gt3A_120 = arith.constant 5.000000e-01 : f32
    %gt3A_121 = vector.broadcast %gt3A_120 : f32 to vector<2048x1xf32>
    %gt3A_122 = arith.cmpf ogt, %slice3A_119, %gt3A_121 : vector<2048x1xf32>
    %get3A_123 = arith.constant 0 : index
    %get3A_124 = arith.constant 64 : index
    %get3A_125 = vector.load %arg5[%get3A_123, %get3A_124] : memref<2048x128xf32, #tpu.memory_space<vmem>>, vector<2048x64xf32>
    %get3A_126 = arith.constant 0 : index
    %get3A_127 = arith.constant 0 : index
    %get3A_128 = vector.load %arg5[%get3A_126, %get3A_127] : memref<2048x128xf32, #tpu.memory_space<vmem>>, vector<2048x64xf32>
    %broadcast_in_dim3A_129 = vector.shape_cast %gt3A_122 : vector<2048x1xi1> to vector<2048x1xi1>
    %broadcast_in_dim3A_130 = vector.broadcast %broadcast_in_dim3A_129 : vector<2048x1xi1> to vector<2048x64xi1>
    %select_n3A_131 = arith.select %broadcast_in_dim3A_130, %get3A_125, %get3A_128 : vector<2048x64xi1>, vector<2048x64xf32>
    %get3A_132 = arith.constant 0 : index
    %get3A_133 = arith.constant 0 : index
    %get3A_134 = vector.load %arg17[%get3A_132, %get3A_133] : memref<64x256xf32, #tpu.memory_space<vmem>>, vector<64x256xf32>
    %convert_element_type3A_135 = arith.truncf %select_n3A_131 : vector<2048x64xf32> to vector<2048x64xbf16>
    %convert_element_type3A_136 = arith.truncf %get3A_134 : vector<64x256xf32> to vector<64x256xbf16>
    %dot_general3A_137 = arith.constant dense<0.000000e+00> : vector<2048x256xf32>
    %dot_general3A_138 = tpu.matmul %convert_element_type3A_135, %convert_element_type3A_136, %dot_general3A_137 {dimension_numbers = #tpu.dot_dimension_numbers<[1], [0], [0], [1], [0, 0, 1, 1], [], []>, transpose_lhs_hint = false} : vector<2048x64xbf16>, vector<64x256xbf16>, vector<2048x256xf32> -> vector<2048x256xf32>
    %add3A_139 = arith.addf %dot_general3A_118, %dot_general3A_138 : vector<2048x256xf32>
    %get3A_140 = arith.constant 0 : index
    %get3A_141 = arith.constant 0 : index
    %get3A_142 = vector.load %arg7[%get3A_140, %get3A_141] : memref<2048x64xf32, #tpu.memory_space<vmem>>, vector<2048x64xf32>
    %get3A_143 = arith.constant 0 : index
    %get3A_144 = arith.constant 0 : index
    %get3A_145 = vector.load %arg18[%get3A_143, %get3A_144] : memref<64x256xf32, #tpu.memory_space<vmem>>, vector<64x256xf32>
    %convert_element_type3A_146 = arith.truncf %get3A_142 : vector<2048x64xf32> to vector<2048x64xbf16>
    %convert_element_type3A_147 = arith.truncf %get3A_145 : vector<64x256xf32> to vector<64x256xbf16>
    %dot_general3A_148 = arith.constant dense<0.000000e+00> : vector<2048x256xf32>
    %dot_general3A_149 = tpu.matmul %convert_element_type3A_146, %convert_element_type3A_147, %dot_general3A_148 {dimension_numbers = #tpu.dot_dimension_numbers<[1], [0], [0], [1], [0, 0, 1, 1], [], []>, transpose_lhs_hint = false} : vector<2048x64xbf16>, vector<64x256xbf16>, vector<2048x256xf32> -> vector<2048x256xf32>
    %add3A_150 = arith.addf %add3A_139, %dot_general3A_149 : vector<2048x256xf32>
    %get3A_151 = arith.constant 0 : index
    %get3A_152 = arith.constant 0 : index
    %get3A_153 = vector.load %arg19[%get3A_151, %get3A_152] : memref<1x256xf32, #tpu.memory_space<vmem>>, vector<1x256xf32>
    %add3A_154 = vector.broadcast %get3A_153 : vector<1x256xf32> to vector<2048x256xf32>
    %add3A_155 = arith.addf %add3A_150, %add3A_154 : vector<2048x256xf32>
    %max3A_156 = arith.constant 0.000000e+00 : f32
    %max3A_157 = vector.broadcast %max3A_156 : f32 to vector<2048x256xf32>
    %max3A_158 = arith.maximumf %add3A_155, %max3A_157 : vector<2048x256xf32>
    %get3A_159 = arith.constant 0 : index
    %get3A_160 = arith.constant 0 : index
    %get3A_161 = vector.load %arg20[%get3A_159, %get3A_160] : memref<256x128xf32, #tpu.memory_space<vmem>>, vector<256x128xf32>
    %convert_element_type3A_162 = arith.truncf %max3A_158 : vector<2048x256xf32> to vector<2048x256xbf16>
    %convert_element_type3A_163 = arith.truncf %get3A_161 : vector<256x128xf32> to vector<256x128xbf16>
    %dot_general3A_164 = arith.constant dense<0.000000e+00> : vector<2048x128xf32>
    %dot_general3A_165 = tpu.matmul %convert_element_type3A_162, %convert_element_type3A_163, %dot_general3A_164 {dimension_numbers = #tpu.dot_dimension_numbers<[1], [0], [0], [1], [0, 0, 1, 1], [], []>, transpose_lhs_hint = false} : vector<2048x256xbf16>, vector<256x128xbf16>, vector<2048x128xf32> -> vector<2048x128xf32>
    %get3A_166 = arith.constant 0 : index
    %get3A_167 = arith.constant 0 : index
    %get3A_168 = vector.load %arg21[%get3A_166, %get3A_167] : memref<1x128xf32, #tpu.memory_space<vmem>>, vector<1x128xf32>
    %add3A_169 = vector.broadcast %get3A_168 : vector<1x128xf32> to vector<2048x128xf32>
    %add3A_170 = arith.addf %dot_general3A_165, %add3A_169 : vector<2048x128xf32>
    %max3A_171 = arith.constant 0.000000e+00 : f32
    %max3A_172 = vector.broadcast %max3A_171 : f32 to vector<2048x128xf32>
    %max3A_173 = arith.maximumf %add3A_170, %max3A_172 : vector<2048x128xf32>
    %get3A_174 = arith.constant 0 : index
    %get3A_175 = arith.constant 0 : index
    %get3A_176 = vector.load %arg22[%get3A_174, %get3A_175] : memref<128x64xf32, #tpu.memory_space<vmem>>, vector<128x64xf32>
    %convert_element_type3A_177 = arith.truncf %max3A_173 : vector<2048x128xf32> to vector<2048x128xbf16>
    %convert_element_type3A_178 = arith.truncf %get3A_176 : vector<128x64xf32> to vector<128x64xbf16>
    %dot_general3A_179 = arith.constant dense<0.000000e+00> : vector<2048x64xf32>
    %dot_general3A_180 = tpu.matmul %convert_element_type3A_177, %convert_element_type3A_178, %dot_general3A_179 {dimension_numbers = #tpu.dot_dimension_numbers<[1], [0], [0], [1], [0, 0, 1, 1], [], []>, transpose_lhs_hint = false} : vector<2048x128xbf16>, vector<128x64xbf16>, vector<2048x64xf32> -> vector<2048x64xf32>
    %get3A_181 = arith.constant 0 : index
    %get3A_182 = arith.constant 0 : index
    %get3A_183 = vector.load %arg23[%get3A_181, %get3A_182] : memref<1x64xf32, #tpu.memory_space<vmem>>, vector<1x64xf32>
    %add3A_184 = vector.broadcast %get3A_183 : vector<1x64xf32> to vector<2048x64xf32>
    %add3A_185 = arith.addf %dot_general3A_180, %add3A_184 : vector<2048x64xf32>
    %mul3A_186 = arith.mulf %add3A_185, %add3A_185 : vector<2048x64xf32>
    %reduce_sum3A_187 = arith.constant dense<0.000000e+00> : vector<2048xf32>
    %reduce_sum3A_188 = vector.multi_reduction <add>, %mul3A_186, %reduce_sum3A_187 [1] : vector<2048x64xf32> to vector<2048xf32>
    %broadcast_in_dim3A_189 = vector.shape_cast %reduce_sum3A_188 : vector<2048xf32> to vector<2048x1xf32>
    %sqrt3A_190 = math.sqrt %broadcast_in_dim3A_189 : vector<2048x1xf32>
    %max3A_191 = arith.constant 9.99999996E-13 : f32
    %max3A_192 = vector.broadcast %max3A_191 : f32 to vector<2048x1xf32>
    %max3A_193 = arith.maximumf %sqrt3A_190, %max3A_192 : vector<2048x1xf32>
    %div3A_194 = vector.broadcast %max3A_193 : vector<2048x1xf32> to vector<2048x64xf32>
    %div3A_195 = arith.divf %add3A_185, %div3A_194 : vector<2048x64xf32>
    %swap3A_196 = arith.constant 0 : index
    %swap3A_197 = arith.constant 0 : index
    %swap3A_198 = vector.load %arg25[%swap3A_196, %swap3A_197] : memref<2048x64xf32, #tpu.memory_space<vmem>>, vector<2048x64xf32>
    tpu.vector_store %arg25[%swap3A_196, %swap3A_197], %div3A_195 {strides = array<i32>} : memref<2048x64xf32, #tpu.memory_space<vmem>>, vector<2048x64xf32>,
    return
  }
  func.func @transform_0(%arg0: i32) -> (i32, i32) {
    %c0_i32 = arith.constant 0 : i32
    %c0_i32_0 = arith.constant 0 : i32
    return %arg0, %c0_i32 : i32, i32
  }
  func.func @transform_1(%arg0: i32) -> (i32, i32) {
    %c0_i32 = arith.constant 0 : i32
    %c0_i32_0 = arith.constant 0 : i32
    return %arg0, %c0_i32 : i32, i32
  }
  func.func @transform_2(%arg0: i32) -> (i32, i32) {
    %c0_i32 = arith.constant 0 : i32
    %c0_i32_0 = arith.constant 0 : i32
    return %arg0, %c0_i32 : i32, i32
  }
  func.func @transform_3(%arg0: i32) -> (i32, i32) {
    %c0_i32 = arith.constant 0 : i32
    %c0_i32_0 = arith.constant 0 : i32
    return %arg0, %c0_i32 : i32, i32
  }
  func.func @transform_4(%arg0: i32) -> (i32, i32) {
    %c0_i32 = arith.constant 0 : i32
    %c0_i32_0 = arith.constant 0 : i32
    return %arg0, %c0_i32 : i32, i32
  }
  func.func @transform_5(%arg0: i32) -> (i32, i32) {
    %c0_i32 = arith.constant 0 : i32
    %c0_i32_0 = arith.constant 0 : i32
    return %arg0, %c0_i32 : i32, i32
  }
  func.func @transform_6(%arg0: i32) -> (i32, i32) {
    %c0_i32 = arith.constant 0 : i32
    %c0_i32_0 = arith.constant 0 : i32
    return %arg0, %c0_i32 : i32, i32
  }
  func.func @transform_7(%arg0: i32) -> (i32, i32) {
    %c0_i32 = arith.constant 0 : i32
    %c0_i32_0 = arith.constant 0 : i32
    %c0_i32_1 = arith.constant 0 : i32
    return %c0_i32, %c0_i32_0 : i32, i32
  }
  func.func @transform_8(%arg0: i32) -> (i32, i32) {
    %c0_i32 = arith.constant 0 : i32
    %c0_i32_0 = arith.constant 0 : i32
    %c0_i32_1 = arith.constant 0 : i32
    return %c0_i32, %c0_i32_0 : i32, i32
  }
  func.func @transform_9(%arg0: i32) -> (i32, i32) {
    %c0_i32 = arith.constant 0 : i32
    %c0_i32_0 = arith.constant 0 : i32
    %c0_i32_1 = arith.constant 0 : i32
    return %c0_i32, %c0_i32_0 : i32, i32
  }
  func.func @transform_10(%arg0: i32) -> (i32, i32) {
    %c0_i32 = arith.constant 0 : i32
    %c0_i32_0 = arith.constant 0 : i32
    %c0_i32_1 = arith.constant 0 : i32
    return %c0_i32, %c0_i32_0 : i32, i32
  }
  func.func @transform_11(%arg0: i32) -> (i32, i32) {
    %c0_i32 = arith.constant 0 : i32
    %c0_i32_0 = arith.constant 0 : i32
    %c0_i32_1 = arith.constant 0 : i32
    return %c0_i32, %c0_i32_0 : i32, i32
  }
  func.func @transform_12(%arg0: i32) -> (i32, i32) {
    %c0_i32 = arith.constant 0 : i32
    %c0_i32_0 = arith.constant 0 : i32
    %c0_i32_1 = arith.constant 0 : i32
    return %c0_i32, %c0_i32_0 : i32, i32
  }
  func.func @transform_13(%arg0: i32) -> (i32, i32) {
    %c0_i32 = arith.constant 0 : i32
    %c0_i32_0 = arith.constant 0 : i32
    %c0_i32_1 = arith.constant 0 : i32
    return %c0_i32, %c0_i32_0 : i32, i32
  }
  func.func @transform_14(%arg0: i32) -> (i32, i32) {
    %c0_i32 = arith.constant 0 : i32
    %c0_i32_0 = arith.constant 0 : i32
    %c0_i32_1 = arith.constant 0 : i32
    return %c0_i32, %c0_i32_0 : i32, i32
  }
  func.func @transform_15(%arg0: i32) -> (i32, i32) {
    %c0_i32 = arith.constant 0 : i32
    %c0_i32_0 = arith.constant 0 : i32
    %c0_i32_1 = arith.constant 0 : i32
    return %c0_i32, %c0_i32_0 : i32, i32
  }
  func.func @transform_16(%arg0: i32) -> (i32, i32) {
    %c0_i32 = arith.constant 0 : i32
    %c0_i32_0 = arith.constant 0 : i32
    %c0_i32_1 = arith.constant 0 : i32
    return %c0_i32, %c0_i32_0 : i32, i32
  }
  func.func @transform_17(%arg0: i32) -> (i32, i32) {
    %c0_i32 = arith.constant 0 : i32
    %c0_i32_0 = arith.constant 0 : i32
    %c0_i32_1 = arith.constant 0 : i32
    return %c0_i32, %c0_i32_0 : i32, i32
  }
  func.func @transform_18(%arg0: i32) -> (i32, i32) {
    %c0_i32 = arith.constant 0 : i32
    %c0_i32_0 = arith.constant 0 : i32
    %c0_i32_1 = arith.constant 0 : i32
    return %c0_i32, %c0_i32_0 : i32, i32
  }
  func.func @transform_19(%arg0: i32) -> (i32, i32) {
    %c0_i32 = arith.constant 0 : i32
    %c0_i32_0 = arith.constant 0 : i32
    %c0_i32_1 = arith.constant 0 : i32
    return %c0_i32, %c0_i32_0 : i32, i32
  }
  func.func @transform_20(%arg0: i32) -> (i32, i32) {
    %c0_i32 = arith.constant 0 : i32
    %c0_i32_0 = arith.constant 0 : i32
    %c0_i32_1 = arith.constant 0 : i32
    return %c0_i32, %c0_i32_0 : i32, i32
  }
  func.func @transform_21(%arg0: i32) -> (i32, i32) {
    %c0_i32 = arith.constant 0 : i32
    %c0_i32_0 = arith.constant 0 : i32
    %c0_i32_1 = arith.constant 0 : i32
    return %c0_i32, %c0_i32_0 : i32, i32
  }
  func.func @transform_22(%arg0: i32) -> (i32, i32) {
    %c0_i32 = arith.constant 0 : i32
    %c0_i32_0 = arith.constant 0 : i32
    %c0_i32_1 = arith.constant 0 : i32
    return %c0_i32, %c0_i32_0 : i32, i32
  }
  func.func @transform_23(%arg0: i32) -> (i32, i32) {
    %c0_i32 = arith.constant 0 : i32
    %c0_i32_0 = arith.constant 0 : i32
    return %arg0, %c0_i32 : i32, i32
  }
  func.func @transform_24(%arg0: i32) -> (i32, i32) {
    %c0_i32 = arith.constant 0 : i32
    %c0_i32_0 = arith.constant 0 : i32
    return %arg0, %c0_i32 : i32, i32
  }
}

</mosaic_0001>

<sc_bundles>
// kernel: kernel.7.cloned.1.call-start
scs
__scs_entry_jumppad:
0x0: {  	(pc) =	sbr.rel $0x88, $3  }
0x1: {  	(tag) =	ssettag $0x0;
	lr =	simm.s32 $0x1  }
0x2: {  	[smem:$0x3F88] =	sst lr;
	_ =	strace $0xD0000000  }
0x3: {  	_ = 	snop  }
0x4: {  	_ = 	snop  }
0x5: {  	_ = 	snop  }
0x6: {  	_ = 	snop  }
0x7: {  	_ = 	snop  }
__scs_overlays_trampoline_lowered:
0x8: {  	[smem:$0x3F97] =	sst s0  }
0x9: {  	[smem:$0x3F98] =	sst s1  }
0xa: {  	[smem:$0x3F99] =	sst s2  }
0xb: {  	[smem:$0x3F9A] =	sst s3  }
0xc: {  	[smem:$0x3F9B] =	sst s4  }
0xd: {  	[smem:$0x3F9C] =	sst s5  }
0xe: {  	[smem:$0x3F9D] =	sst s6  }
0xf: {  	[smem:$0x3F9E] =	sst s7  }
0x10: {  	[smem:$0x3F9F] =	sst s8  }
0x11: {  	[smem:$0x3FA0] =	sst s9;
	s0 =	simm.s32 @!p0 $0x0  }
0x12: {  	s1 =	sld [smem:$0x3F86];
	s0 =	simm.s32 @p0 $0x1  }
0x13: {  	[smem:$0x3FA1] =	sst s0;
	s0 =	simm.s32 @!p1 $0x0  }
0x14: {  	s2 =	sld [smem:$0x3F85];
	s0 =	simm.s32 @p1 $0x1  }
0x15: {  	[smem:$0x3FA2] =	sst s0;
	s0 =	simm.s32 @!p2 $0x0  }
0x16: {  	s3 =	sld [smem:$0x3FDB];
	s0 =	simm.s32 @p2 $0x1  }
0x17: {  	s4 =	simm.s32 $0x1BF5;
	[smem:$0x3FA4] =	sst s0  }
0x18: {  	s0 =	sld [smem:$0x3F87];
	_ =	swait.ge [sflag:s4], $0x0  }
0x19: {  	s7 =	sld [smem:$0x3F88]  }
0x1a: {  	s8 =	sadd.s32 $0xFFFFE003, lr  }
0x1b: {  	s9 =	sadd.s32 $0xFFFFFEF7, lr;
	s5 =	simm.s32 $0xFFFFFFFF;
	p2 =	slt.u32 s8, $0xFFFFF086  }
0x1c: {  	p1 =	slt.u32 s9, $0xF7A;
	s5 =	simm.s32 @!p2 $0x0  }
0x1d: {  	s5 =	simm.s32 @p1 $0x1;
	p0 =	seq.s32 s7, s2  }
0x1e: {  	s7 =	smul.u32 @!p0 $0xF7A, s2;
	p2 =	seq.s32 @!p0 s5, $0x0  }
0x1f: {  	s9 =	smul.u32 $0xF7A, s1;
	s8 =	simm.s32 @!p0 $0x1BF5;
	p2 =	por !p2, p0  }
0x20: {  	[sflag:s8] =	ssyncset.s32 @!p0 $0xFFFFF086;
	s6 =	sadd.s32 @!p0 s3, s7;
	s7 =	simm.s32 @!p0 $0x108  }
0x21: {  	s3 =	sadd.s32 s3, s9;
	s6 =	sadd.s32 @!p0 $0x88, s6;
	s7 =	simm.s32 @p2 $0x1082  }
0x22: {  	[simem:s7], [sflag:s8] =	dma.local @!p0 [hbm:s6], $0xF7A  }
0x23: {  	s9 =	sor.u32 $0xD0000000, s2;
	s6 =	simm.s32 $0x108;
	_ =	swait.ge @!p0 [sflag:s8], $0x0  }
0x24: {  	s3 =	sadd.s32 $0x88, s3;
	s6 =	simm.s32 @!p1 $0x1082;
	[sflag:s4] =	ssyncset.s32 $0xFFFFF086  }
0x25: {  	[simem:s6], [sflag:s4] =	dma.local [hbm:s3], $0xF7A  }
0x26: {  	[smem:$0x3F88] =	sst s1;
	(tag) =	ssettag s2;
	_ =	strace s9  }
0x27: {  	s1 =	sld [smem:$0x3F98]  }
0x28: {  	s2 =	sld [smem:$0x3F99]  }
0x29: {  	s4 =	sld [smem:$0x3F9B]  }
0x2a: {  	p0 =	seq.s32 s5, $0x0;
	s5 =	sld [smem:$0x3F9C]  }
0x2b: {  	s6 =	sld [smem:$0x3F9D]  }
0x2c: {  	s7 =	sld [smem:$0x3F9E]  }
0x2d: {  	s3 =	simm.s32 $0x108;
	s8 =	sld [smem:$0x3F9F]  }
0x2e: {  	s3 =	simm.s32 @!p0 $0x1082;
	s9 =	sld [smem:$0x3FA0]  }
0x2f: {  	lr =	sadd.s32 s0, s3;
	s0 =	sld [smem:$0x3F97]  }
0x30: {  	s3 =	sld [smem:$0x3F9A]  }
0x31: {  	[smem:$0x3FA3] =	sst s10  }
0x32: {  	s10 =	sld [smem:$0x3FA1];
	_ =	sdelay $0x3  }
0x33: {  	p0 =	seq.s32 s10, $0x1;
	s10 =	sld [smem:$0x3FA3];
	_ =	sdelay $0x3  }
0x34: {  	[smem:$0x3FA3] =	sst s10  }
0x35: {  	s10 =	sld [smem:$0x3FA2];
	_ =	sdelay $0x3  }
0x36: {  	p1 =	seq.s32 s10, $0x1;
	s10 =	sld [smem:$0x3FA3];
	_ =	sdelay $0x3  }
0x37: {  	[smem:$0x3FA3] =	sst s10  }
0x38: {  	s10 =	sld [smem:$0x3FA4]  }
0x39: {  	_ = 	snop;
	(pc) =	sbr.ind lr, $3  }
0x3a: {  	_ = 	snop  }
0x3b: {  	_ = 	snop  }
0x3c: {  	p2 =	seq.s32 s10, $0x1;
	s10 =	sld [smem:$0x3FA3]  }
0x3d: {  	_ =	shalt  }
0x3e: {  	_ =	shalt  }
0x3f: {  	_ =	shalt  }
0x40: {  	_ =	shalt  }
0x41: {  	_ =	shalt  }
0x42: {  	_ =	shalt  }
0x43: {  	_ =	shalt  }
0x44: {  	_ =	shalt  }
0x45: {  	_ =	shalt  }
0x46: {  	_ =	shalt  }
0x47: {  	_ =	shalt  }
0x48: {  	_ =	shalt  }
0x49: {  	_ =	shalt  }
0x4a: {  	_ =	shalt  }
0x4b: {  	_ =	shalt  }
0x4c: {  	_ =	shalt  }
0x4d: {  	_ =	shalt  }
0x4e: {  	_ =	shalt  }
0x4f: {  	_ =	shalt  }
0x50: {  	_ =	shalt  }
0x51: {  	_ =	shalt  }
0x52: {  	_ =	shalt  }
0x53: {  	_ =	shalt  }
0x54: {  	_ =	shalt  }
0x55: {  	_ =	shalt  }
0x56: {  	_ =	shalt  }
0x57: {  	_ =	shalt  }
0x58: {  	_ =	shalt  }
0x59: {  	_ =	shalt  }
0x5a: {  	_ =	shalt  }
0x5b: {  	_ =	shalt  }
0x5c: {  	_ =	shalt  }
0x5d: {  	_ =	shalt  }
0x5e: {  	_ =	shalt  }
0x5f: {  	_ =	shalt  }
0x60: {  	_ =	shalt  }
0x61: {  	_ =	shalt  }
0x62: {  	_ =	shalt  }
0x63: {  	_ =	shalt  }
0x64: {  	_ =	shalt  }
0x65: {  	_ =	shalt  }
0x66: {  	_ =	shalt  }
0x67: {  	_ =	shalt  }
0x68: {  	_ =	shalt  }
0x69: {  	_ =	shalt  }
0x6a: {  	_ =	shalt  }
0x6b: {  	_ =	shalt  }
0x6c: {  	_ =	shalt  }
0x6d: {  	_ =	shalt  }
0x6e: {  	_ =	shalt  }
0x6f: {  	_ =	shalt  }
0x70: {  	_ =	shalt  }
0x71: {  	_ =	shalt  }
0x72: {  	_ =	shalt  }
0x73: {  	_ =	shalt  }
0x74: {  	_ =	shalt  }
0x75: {  	_ =	shalt  }
0x76: {  	_ =	shalt  }
0x77: {  	_ =	shalt  }
0x78: {  	_ =	shalt  }
0x79: {  	_ =	shalt  }
0x7a: {  	_ =	shalt  }
0x7b: {  	_ =	shalt  }
0x7c: {  	_ =	shalt  }
0x7d: {  	_ =	shalt  }
0x7e: {  	_ =	shalt  }
0x7f: {  	_ =	shalt  }
0x80: {  	_ =	shalt  }
0x81: {  	_ =	shalt  }
0x82: {  	_ =	shalt  }
0x83: {  	_ =	shalt  }
0x84: {  	_ =	shalt  }
0x85: {  	_ =	shalt  }
0x86: {  	_ =	shalt  }
0x87: {  	_ =	shalt  }
.Lfunc_end0:
.L_simem_size_0:
called_computation_lowered:
.L_overlay_start_0:
0x88: {  	s2 =	sld [smem:$0x3FD9]  }
0x89: {  	s3 =	sld [smem:$0x3FFE];
	_ =	sdelay $0x1  }
0x8a: {  	s1 =	srdreg.scid  }
0x8b: {  	s0 =	sand.u32 $0x1, s1  }
0x8c: {  	s14 =	sshll.u32 s0, $0xA;
	s2 =	sadd.s32 s3, s2  }
0x8d: {  	s2 =	sadd.s32 s2, s14  }
0x8e: {  	[smem:$0x3FAF] =	sst s2  }
0x8f: {  	_ = 	snop  }
0x90: {  	s2 =	sld [smem:$0x3FD0];
	_ =	sdelay $0x2  }
0x91: {  	s15 =	simm.s32 $0xA;
	s4 =	simm.s32 $0x10  }
0x92: {  	[smem:s4], [sflag:s15] =	dma.local [hbm:s2], $0x1  }
0x93: {  	_ =	swait.eq [sflag:s15], $0x1  }
0x94: {  	[sflag:s15] =	ssyncset.done $0x0  }
0x95: {  	s16 =	sld [smem:$0x10];
	[sflag:s15] =	ssyncadd.s32 $0xFFFFFFFF  }
0x96: {  	s17 =	sld [smem:$0x11];
	(tm) =	ssettm $0x1  }
0x97: {  	s18 =	sld [smem:$0x3FFB];
	_ =	sdelay $0x3  }
0x98: {  	_ =	strace s18  }
0x99: {  	s4 =	sld [smem:$0x3FFC];
	_ =	sdelay $0x3  }
0x9a: {  	_ =	strace s4  }
0x9b: {  	s4 =	sld [smem:$0x3FFD];
	_ =	sdelay $0x3  }
0x9c: {  	_ =	strace s4  }
0x9d: {  	_ =	strace $0x8FFFFFFF  }
0x9e: {  	s19 =	sld [smem:$0x3FDB];
	_ =	sdelay $0x1  }
0x9f: {  	s5 =	simm.s32 $_scs_section_size  }
0xa0: {  	s6 =	simm.s32 $_size__tile_overlayer_lowered;
	s7 =	simm.s32 $_tile_overlayer_lowered  }
0xa1: {  	s22 =	simm.s32 $0x1BFF;
	s21 =	sshll.u32 s7, $0x1;
	s4 =	sadd.s32 s5, s19  }
0xa2: {  	s8 =	simm.s32 $0x0;
	s20 =	sshll.u32 s6, $0x1;
	s6 =	sadd.s32 s21, s4  }
0xa3: {  	[timem:s8], [sflag:s22] =	dma.local [hbm:s6], s20  }
0xa4: {  	_ =	swait.ge [sflag:s22], s20  }
0xa5: {  	s5 =	ssub.s32 $0x0, s20;
	[sflag:s22] =	ssyncset.done $0x0  }
0xa6: {  	[sflag:s22] =	ssyncadd.s32 s5;
	_ =	sdelay $0x1  }
0xa7: {  	s23 =	simm.s32 $0x1B8B  }
0xa8: {  	_ =	swait.ge [sflag:s23], $0x1  }
0xa9: {  	[sflag:s23] =	ssyncset.done $0x0  }
0xaa: {  	s25 =	simm.s32 $0x1B8E;
	s24 =	sld [smem:$0x3FFE];
	[sflag:s23] =	ssyncadd.s32 $0xFFFFFFFF  }
0xab: {  	s26 =	simm.s32 $execute0_lowered;
	[smem:$0x3FD2] =	sst s25  }
0xac: {  	s6 =	sshll.u32 s26, $0x1;
	_ =	strace $0x80000046;
	[dreg:$0x1] =	wrdreg $0xFFFFFFFF  }
0xad: {  	s28 =	simm.s32 $_size_execute0_lowered;
	s4 =	sadd.s32 s4, s6;
	[dreg:$0x0] =	wrdreg $0x0  }
0xae: {  	s6 =	sshll.u32 s28, $0x1;
	[dreg:$0x2] =	wrdreg s4  }
0xaf: {  	[dreg:$0x3] =	wrdreg s6  }
0xb0: {  	[dreg:$0x4] =	wrdreg $0xC0  }
0xb1: {  	_ =	task [dreg:s8], $0x5FFFF  }
0xb2: {  	[dreg:$0x1] =	wrdreg $0xFFFFFFFF  }
0xb3: {  	[dreg:$0x0] =	wrdreg $0x60  }
0xb4: {  	[dreg:$0x2] =	wrdreg s24  }
0xb5: {  	[dreg:$0x3] =	wrdreg s16  }
0xb6: {  	[dreg:$0x4] =	wrdreg s17  }
0xb7: {  	[dreg:$0x5] =	wrdreg $0x9  }
0xb8: {  	_ =	task.clear_ibuf [dreg:s8], $0x6FFFF;
	_ =	strace $0x90000046  }
0xb9: {  	s29 =	simm.s32 $0x9;
	_ =	strace $0x80000048  }
0xba: {  	_ =	swait.ge [sflag:s29], $0x1  }
0xbb: {  	[sflag:s29] =	ssyncadd.s32 $0xFFFFFFFF  }
0xbc: {  	_ =	strace $0x90000048  }
0xbd: {  	_ =	sfence  }
0xbe: {  	s30 =	sld [smem:$0x0];
	_ =	sdelay $0x2  }
0xbf: {  	s31 =	sshll.u32 s1, $0xD;
	s1 =	sshrl.u32 s1, $0x2  }
0xc0: {  	s3 =	sand.u32 $0x4000, s31;
	s1 =	sadd.s32 s1, s30  }
0xc1: {  	s0 =	sor.u32 s3, s0;
	s1 =	sshll.u32 s1, $0x11  }
0xc2: {  	s0 =	sor.u32 s1, s0  }
0xc3: {  	s0 =	sadd.s32 $0x8F2B, s0  }
0xc4: {  	[sflag:s0] =	ssyncadd.remote.s32 $0x1  }
0xc5: {  	_ =	sfence.sel $0xFFFF  }
0xc6: {  	[dreg:$0x0] =	wrdreg $0xFFFFFFFF;
	(pc) =	sbr.abs _section_cstart, $3  }
0xc7: {  	[dreg:$0x1] =	wrdreg $0xFFFFFFFF  }
0xc8: {  	_ =	task.clear_ibuf [dreg:s8], $0x2FFFF;
	_ =	strace $0x9FFFFFFF  }
0xc9: {  	(tm) =	ssettm $0x7FFFFFFF  }
tec
execute0_lowered:
.L_overlay_start_1:
0x0: {  	(tag) =	ssettag $0x1  }
0x1: {  	s0 =	srdreg.scid;
	s1 =	rddreg [dreg:$0x0]  }
0x2: {  	s13 =	stileid.u32;
	s6 =	rddreg [dreg:$0x1];
	s4 =	sand.u32 $0x1, s0  }
0x3: {  	s3 =	rddreg [dreg:$0x2];
	s7 =	sshll.u32 s13, $0xA;
	s2 =	sshll.u32 s4, $0x9  }
0x4: {  	s19 =	sadd.s32 $0x928800, s1;
	s24 =	sadd.s32 $0x968800, s1;
	s0 =	sor.u32 s2, s7  }
0x5: {  	s2 =	simm.s32 $0x0;
	s5 =	sshrl.u32 s0, $0x3;
	s0 =	sshll.u32 s0, $0x4  }
0x6: {  	[smem:$0x7FF] =	sst s2;
	s5 =	sadd.s32 s5, s1;
	s21 =	sadd.s32 s19, s0  }
0x7: {  	_ =	strace $0x80000047;
	s26 =	sadd.s32 s24, s0;
	[dreg:$0x11] =	wrdreg s21  }
0x8: {  	s31 =	simm.s32 $0x3;
	s7 =	sadd.s32 $0x8A7800, s5;
	[dreg:$0x15] =	wrdreg s26  }
0x9: {  	s30 =	simm.s32 $0x300;
	s8 =	sadd.s32 $0x4C00, s5;
	[dreg:$0x4] =	wrdreg s7  }
0xa: {  	s29 =	simm.s32 $0x580;
	s9 =	sadd.s32 $0x5C00, s5;
	[dreg:$0x5] =	wrdreg s8  }
0xb: {  	p0 =	por $0x0, $0x0;
	s10 =	sadd.s32 $0x8A8000, s5;
	[dreg:$0x6] =	wrdreg s9  }
0xc: {  	s5 =	sadd.s32 $0x6C00, s5;
	s8 =	sadd.s32 $0x8A8800, s1;
	[dreg:$0x7] =	wrdreg s10  }
0xd: {  	[dreg:$0x8] =	wrdreg s5;
	s7 =	sor.u32 $0x800, s0;
	s11 =	sadd.s32 s8, s0  }
0xe: {  	s9 =	sor.u32 $0x1000, s0;
	s12 =	sadd.s32 s8, s7;
	[dreg:$0x9] =	wrdreg s11  }
0xf: {  	s10 =	sor.u32 $0x1800, s0;
	s14 =	sadd.s32 s8, s9;
	[dreg:$0xa] =	wrdreg s12  }
0x10: {  	s28 =	sadd.s32 $0x7400, s1;
	s15 =	sadd.s32 s8, s10;
	[dreg:$0xb] =	wrdreg s14  }
0x11: {  	s4 =	ssub.s32 $0x2, s4;
	s22 =	sadd.s32 s19, s7;
	[dreg:$0xc] =	wrdreg s15  }
0x12: {  	s26 =	simm.s32 $0x200;
	s23 =	sadd.s32 s19, s9;
	[dreg:$0x12] =	wrdreg s22  }
0x13: {  	s21 =	simm.s32 $0x400;
	s25 =	sadd.s32 s19, s10;
	[dreg:$0x13] =	wrdreg s23  }
0x14: {  	s5 =	simm.s32 $0xCA00;
	s8 =	sadd.s32 s24, s7;
	[dreg:$0x14] =	wrdreg s25  }
0x15: {  	s11 =	sadd.s32 $0x8E8800, s1;
	[dreg:$0x16] =	wrdreg s8;
	s12 =	sadd.s32 s24, s9  }
0x16: {  	s14 =	sadd.s32 $0x9A8800, s1;
	s15 =	sadd.s32 s24, s10;
	s22 =	sadd.s32 $0x8A7400, s1  }
0x17: {  	s23 =	simm.s32 $0x100;
	s24 =	simm.s32 $0x180;
	[dreg:$0x17] =	wrdreg s12  }
0x18: {  	s25 =	simm.s32 $0x280;
	s8 =	simm.s32 $0x1;
	[dreg:$0x18] =	wrdreg s15  }
0x19: {  	s16 =	sadd.s32 s11, s0;
	s17 =	sadd.s32 s11, s7;
	[dreg:$0x1d] =	wrdreg s23  }
0x1a: {  	s18 =	sadd.s32 s11, s9;
	s20 =	sadd.s32 s11, s10;
	[dreg:$0x1e] =	wrdreg s24  }
0x1b: {  	s0 =	sadd.s32 s14, s0;
	s19 =	sadd.s32 s14, s10;
	[dreg:$0x1f] =	wrdreg s25  }
0x1c: {  	s12 =	simm.s32 $0x800;
	s11 =	simm.s32 $0x80;
	[dreg:$0xd] =	wrdreg s16  }
0x1d: {  	s10 =	simm.s32 $0xA00;
	s24 =	simm.s32 $0x380;
	[dreg:$0xe] =	wrdreg s17  }
0x1e: {  	s25 =	simm.s32 $0x500;
	[dreg:$0xf] =	wrdreg s18;
	s17 =	sshrl.u32 s4, $0x1  }
0x1f: {  	s23 =	simm.s32 $0x780;
	[dreg:$0x10] =	wrdreg s20;
	s4 =	ssub.s32 s4, s17  }
0x20: {  	s15 =	simm.s32 $0x900;
	[dreg:$0x19] =	wrdreg s0;
	s20 =	smax.u32 s4, $0x1  }
0x21: {  	s16 =	sadd.s32 s14, s7;
	[dreg:$0x1c] =	wrdreg s19;
	p1 =	sne.s32 s20, $0x1  }
.Ltmp0:
0x22: {  	s18 =	sadd.s32 s14, s9;
	s0 =	rddreg [dreg:$0x4];
	(pc) =	sbr.rel @!p1 .LBB2_1-.Ltmp0, $4  }
0x23: {  	s9 =	simm.s32 $0x4A00;
	s7 =	simm.s32 $0x8A00;
	[dreg:$0x1a] =	wrdreg s16  }
0x24: {  	s19 =	simm.s32 $0x680;
	s14 =	simm.s32 $0x880;
	[dreg:$0x1b] =	wrdreg s18  }
0x25: {  	s16 =	sadd.s32 $0x7C7400, s1;
	s17 =	simm.s32 $0x600;
	s18 =	simm.s32 $0x980  }
0x26: {  	s4 =	simm.s32 $0x2;
	s1 =	sadd.s32 $0xFFFFFFFF, s20;
	s20 =	simm.s32 $0x700  }
0x27: {  	[tilespmem:s2], [sflag:$0x3] =	stream.linear.gather [hbm4b:s0+s2], $0x200, $0x38;
	[tilespmem:$0x10A00] =	vst v63  }
0x28: {  	_ =	swait.ge [sflag:s31], $0x200  }
0x29: {  	[sflag:s31] =	ssyncset.done $0x0  }
0x2a: {  	s13 =	rddreg [dreg:$0x5];
	[sflag:s31] =	ssyncadd.s32 $0xFFFFFE00  }
0x2b: {  	[tilespmem:s26], [sflag:$0x3] =	stream.linear.gather [hbm4b:s13+s2], $0x200, $0x38;
	[tilespmem:$0x10A00] =	vst v63  }
0x2c: {  	_ =	swait.ge [sflag:s31], $0x200  }
0x2d: {  	[sflag:s31] =	ssyncset.done $0x0  }
0x2e: {  	s13 =	rddreg [dreg:$0x6];
	[sflag:s31] =	ssyncadd.s32 $0xFFFFFE00  }
0x2f: {  	[tilespmem:s21], [sflag:$0x3] =	stream.linear.gather [hbm4b:s13+s2], $0x200, $0x38;
	[tilespmem:$0x10A00] =	vst v63  }
0x30: {  	_ =	swait.ge [sflag:s31], $0x200  }
0x31: {  	[sflag:s31] =	ssyncset.done $0x0  }
0x32: {  	s13 =	rddreg [dreg:$0x7];
	[sflag:s31] =	ssyncadd.s32 $0xFFFFFE00  }
0x33: {  	[tilespmem:s17], [sflag:$0x3] =	stream.linear.gather [hbm4b:s13+s2], $0x200, $0x38;
	[tilespmem:$0x10A00] =	vst v63  }
0x34: {  	_ =	swait.ge [sflag:s31], $0x200  }
0x35: {  	[sflag:s31] =	ssyncset.done $0x0  }
0x36: {  	s13 =	rddreg [dreg:$0x8];
	[sflag:s31] =	ssyncadd.s32 $0xFFFFFE00  }
0x37: {  	[tilespmem:s12], [sflag:$0x3] =	stream.linear.gather [hbm4b:s13+s2], $0x200, $0x38;
	[tilespmem:$0x10A00] =	vst v63  }
0x38: {  	_ =	swait.ge [sflag:s31], $0x200  }
0x39: {  	[sflag:s31] =	ssyncset.done $0x0  }
0x3a: {  	[sflag:s31] =	ssyncadd.s32 $0xFFFFFE00  }
0x3b: {  	[tilespmem:s10], [sflag:$0x1] =	stream.indirect.gather [hbm4b:s28+s11], $0x80, s2, s11, $0xb8;
	[tilespmem:$0x10A00] =	vst v63  }
0x3c: {  	_ = 	snop  }
0x3d: {  	[tilespmem:s9], [sflag:$0x1] =	stream.indirect.gather [hbm4b:s28+s11], $0x80, s11, s11, $0xb8;
	[tilespmem:$0x10A00] =	vst v63  }
0x3e: {  	s0 =	rddreg [dreg:$0x1d]  }
0x3f: {  	[tilespmem:s7], [sflag:$0x1] =	stream.indirect.gather [hbm4b:s28+s11], $0x80, s0, s11, $0xb8;
	[tilespmem:$0x10A00] =	vst v63  }
0x40: {  	s13 =	smov.u32 s1;
	s1 =	rddreg [dreg:$0x1e]  }
0x41: {  	[tilespmem:s5], [sflag:$0x1] =	stream.indirect.gather [hbm4b:s28+s11], $0x80, s1, s11, $0xb8;
	[tilespmem:$0x10A00] =	vst v63  }
0x42: {  	_ =	swait.ge [sflag:s8], $0x4000  }
0x43: {  	[sflag:s8] =	ssyncset.done $0x0  }
0x44: {  	s1 =	rddreg [dreg:$0x9];
	[sflag:s8] =	ssyncadd.s32 $0xFFFFC000  }
0x45: {  	[hbm4b:s1+s2] =	stream.linear.scatter [tilespmem:s10], [sflag:$0x2], $0x4000, $0x38;
	[tilespmem:$0x10A00] =	vst v63  }
0x46: {  	_ =	swait.ge [sflag:s8], $0x4000  }
0x47: {  	[sflag:s8] =	ssyncset.done $0x0  }
0x48: {  	s1 =	rddreg [dreg:$0xa];
	[sflag:s8] =	ssyncadd.s32 $0xFFFFC000  }
0x49: {  	[hbm4b:s1+s2] =	stream.linear.scatter [tilespmem:s9], [sflag:$0x2], $0x4000, $0x38;
	[tilespmem:$0x10A00] =	vst v63  }
0x4a: {  	_ =	swait.ge [sflag:s8], $0x4000  }
0x4b: {  	[sflag:s8] =	ssyncset.done $0x0  }
0x4c: {  	s1 =	rddreg [dreg:$0xb];
	[sflag:s8] =	ssyncadd.s32 $0xFFFFC000  }
0x4d: {  	[hbm4b:s1+s2] =	stream.linear.scatter [tilespmem:s7], [sflag:$0x2], $0x4000, $0x38;
	[tilespmem:$0x10A00] =	vst v63  }
0x4e: {  	_ =	swait.ge [sflag:s8], $0x4000  }
0x4f: {  	[sflag:s8] =	ssyncset.done $0x0  }
0x50: {  	s1 =	rddreg [dreg:$0xc];
	[sflag:s8] =	ssyncadd.s32 $0xFFFFC000  }
0x51: {  	[hbm4b:s1+s2] =	stream.linear.scatter [tilespmem:s5], [sflag:$0x2], $0x4000, $0x38;
	[tilespmem:$0x10A00] =	vst v63  }
0x52: {  	_ =	swait.ge [sflag:s4], $0x4000  }
0x53: {  	[sflag:s4] =	ssyncset.done $0x0  }
0x54: {  	[sflag:s4] =	ssyncadd.s32 $0xFFFFC000  }
0x55: {  	_ =	swait.ge [sflag:s4], $0x4000  }
0x56: {  	[sflag:s4] =	ssyncset.done $0x0  }
0x57: {  	[sflag:s4] =	ssyncadd.s32 $0xFFFFC000  }
0x58: {  	_ =	swait.ge [sflag:s4], $0x4000  }
0x59: {  	[sflag:s4] =	ssyncset.done $0x0  }
0x5a: {  	[sflag:s4] =	ssyncadd.s32 $0xFFFFC000  }
0x5b: {  	_ =	swait.ge [sflag:s4], $0x4000  }
0x5c: {  	[sflag:s4] =	ssyncset.done $0x0  }
0x5d: {  	[sflag:s4] =	ssyncadd.s32 $0xFFFFC000  }
0x5e: {  	[tilespmem:s10], [sflag:$0x1] =	stream.indirect.gather [hbm4b:s22+s11], $0x80, s26, s11, $0xb8;
	[tilespmem:$0x10A00] =	vst v63  }
0x5f: {  	s1 =	rddreg [dreg:$0x1f]  }
0x60: {  	[tilespmem:s9], [sflag:$0x1] =	stream.indirect.gather [hbm4b:s22+s11], $0x80, s1, s11, $0xb8;
	[tilespmem:$0x10A00] =	vst v63  }
0x61: {  	_ = 	snop  }
0x62: {  	[tilespmem:s7], [sflag:$0x1] =	stream.indirect.gather [hbm4b:s22+s11], $0x80, s30, s11, $0xb8;
	[tilespmem:$0x10A00] =	vst v63  }
0x63: {  	_ = 	snop  }
0x64: {  	[tilespmem:s5], [sflag:$0x1] =	stream.indirect.gather [hbm4b:s22+s11], $0x80, s24, s11, $0xb8;
	[tilespmem:$0x10A00] =	vst v63  }
0x65: {  	_ =	swait.ge [sflag:s8], $0x4000  }
0x66: {  	[sflag:s8] =	ssyncset.done $0x0  }
0x67: {  	s1 =	rddreg [dreg:$0xd];
	[sflag:s8] =	ssyncadd.s32 $0xFFFFC000  }
0x68: {  	[hbm4b:s1+s2] =	stream.linear.scatter [tilespmem:s10], [sflag:$0x2], $0x4000, $0x38;
	[tilespmem:$0x10A00] =	vst v63  }
0x69: {  	_ =	swait.ge [sflag:s8], $0x4000  }
0x6a: {  	[sflag:s8] =	ssyncset.done $0x0  }
0x6b: {  	s1 =	rddreg [dreg:$0xe];
	[sflag:s8] =	ssyncadd.s32 $0xFFFFC000  }
0x6c: {  	[hbm4b:s1+s2] =	stream.linear.scatter [tilespmem:s9], [sflag:$0x2], $0x4000, $0x38;
	[tilespmem:$0x10A00] =	vst v63  }
0x6d: {  	_ =	swait.ge [sflag:s8], $0x4000  }
0x6e: {  	[sflag:s8] =	ssyncset.done $0x0  }
0x6f: {  	s1 =	rddreg [dreg:$0xf];
	[sflag:s8] =	ssyncadd.s32 $0xFFFFC000  }
0x70: {  	[hbm4b:s1+s2] =	stream.linear.scatter [tilespmem:s7], [sflag:$0x2], $0x4000, $0x38;
	[tilespmem:$0x10A00] =	vst v63  }
0x71: {  	_ =	swait.ge [sflag:s8], $0x4000  }
0x72: {  	[sflag:s8] =	ssyncset.done $0x0  }
0x73: {  	s1 =	rddreg [dreg:$0x10];
	[sflag:s8] =	ssyncadd.s32 $0xFFFFC000  }
0x74: {  	[hbm4b:s1+s2] =	stream.linear.scatter [tilespmem:s5], [sflag:$0x2], $0x4000, $0x38;
	[tilespmem:$0x10A00] =	vst v63  }
0x75: {  	_ =	swait.ge [sflag:s4], $0x4000  }
0x76: {  	[sflag:s4] =	ssyncset.done $0x0  }
0x77: {  	[sflag:s4] =	ssyncadd.s32 $0xFFFFC000  }
0x78: {  	_ =	swait.ge [sflag:s4], $0x4000  }
0x79: {  	[sflag:s4] =	ssyncset.done $0x0  }
0x7a: {  	[sflag:s4] =	ssyncadd.s32 $0xFFFFC000  }
0x7b: {  	_ =	swait.ge [sflag:s4], $0x4000  }
0x7c: {  	[sflag:s4] =	ssyncset.done $0x0  }
0x7d: {  	[sflag:s4] =	ssyncadd.s32 $0xFFFFC000  }
0x7e: {  	_ =	swait.ge [sflag:s4], $0x4000  }
0x7f: {  	[sflag:s4] =	ssyncset.done $0x0  }
0x80: {  	[sflag:s4] =	ssyncadd.s32 $0xFFFFC000  }
0x81: {  	[tilespmem:s10], [sflag:$0x1] =	stream.indirect.gather [hbm4b:s6+s11], $0x80, s21, s11, $0xb8;
	[tilespmem:$0x10A00] =	vst v63  }
0x82: {  	s1 =	simm.s32 $0x480  }
0x83: {  	[tilespmem:s9], [sflag:$0x1] =	stream.indirect.gather [hbm4b:s6+s11], $0x80, s1, s11, $0xb8;
	[tilespmem:$0x10A00] =	vst v63  }
0x84: {  	_ = 	snop  }
0x85: {  	[tilespmem:s7], [sflag:$0x1] =	stream.indirect.gather [hbm4b:s6+s11], $0x80, s25, s11, $0xb8;
	[tilespmem:$0x10A00] =	vst v63  }
0x86: {  	_ = 	snop  }
0x87: {  	[tilespmem:s5], [sflag:$0x1] =	stream.indirect.gather [hbm4b:s6+s11], $0x80, s29, s11, $0xb8;
	[tilespmem:$0x10A00] =	vst v63  }
0x88: {  	_ =	swait.ge [sflag:s8], $0x4000  }
0x89: {  	[sflag:s8] =	ssyncset.done $0x0  }
0x8a: {  	s1 =	rddreg [dreg:$0x11];
	[sflag:s8] =	ssyncadd.s32 $0xFFFFC000  }
0x8b: {  	[hbm4b:s1+s2] =	stream.linear.scatter [tilespmem:s10], [sflag:$0x2], $0x4000, $0x38;
	[tilespmem:$0x10A00] =	vst v63  }
0x8c: {  	_ =	swait.ge [sflag:s8], $0x4000  }
0x8d: {  	[sflag:s8] =	ssyncset.done $0x0  }
0x8e: {  	s1 =	rddreg [dreg:$0x12];
	[sflag:s8] =	ssyncadd.s32 $0xFFFFC000  }
0x8f: {  	[hbm4b:s1+s2] =	stream.linear.scatter [tilespmem:s9], [sflag:$0x2], $0x4000, $0x38;
	[tilespmem:$0x10A00] =	vst v63  }
0x90: {  	_ =	swait.ge [sflag:s8], $0x4000  }
0x91: {  	[sflag:s8] =	ssyncset.done $0x0  }
0x92: {  	s1 =	rddreg [dreg:$0x13];
	[sflag:s8] =	ssyncadd.s32 $0xFFFFC000  }
0x93: {  	[hbm4b:s1+s2] =	stream.linear.scatter [tilespmem:s7], [sflag:$0x2], $0x4000, $0x38;
	[tilespmem:$0x10A00] =	vst v63  }
0x94: {  	_ =	swait.ge [sflag:s8], $0x4000  }
0x95: {  	[sflag:s8] =	ssyncset.done $0x0  }
0x96: {  	s1 =	rddreg [dreg:$0x14];
	[sflag:s8] =	ssyncadd.s32 $0xFFFFC000  }
0x97: {  	[hbm4b:s1+s2] =	stream.linear.scatter [tilespmem:s5], [sflag:$0x2], $0x4000, $0x38;
	[tilespmem:$0x10A00] =	vst v63  }
0x98: {  	_ =	swait.ge [sflag:s4], $0x4000  }
0x99: {  	[sflag:s4] =	ssyncset.done $0x0  }
0x9a: {  	[sflag:s4] =	ssyncadd.s32 $0xFFFFC000  }
0x9b: {  	_ =	swait.ge [sflag:s4], $0x4000  }
0x9c: {  	[sflag:s4] =	ssyncset.done $0x0  }
0x9d: {  	[sflag:s4] =	ssyncadd.s32 $0xFFFFC000  }
0x9e: {  	_ =	swait.ge [sflag:s4], $0x4000  }
0x9f: {  	[sflag:s4] =	ssyncset.done $0x0  }
0xa0: {  	[sflag:s4] =	ssyncadd.s32 $0xFFFFC000  }
0xa1: {  	_ =	swait.ge [sflag:s4], $0x4000  }
0xa2: {  	[sflag:s4] =	ssyncset.done $0x0  }
0xa3: {  	[sflag:s4] =	ssyncadd.s32 $0xFFFFC000  }
0xa4: {  	[tilespmem:s10], [sflag:$0x1] =	stream.indirect.gather [hbm4b:s16+s11], $0x80, s17, s11, $0xb8;
	[tilespmem:$0x10A00] =	vst v63  }
0xa5: {  	_ = 	snop  }
0xa6: {  	[tilespmem:s9], [sflag:$0x1] =	stream.indirect.gather [hbm4b:s16+s11], $0x80, s19, s11, $0xb8;
	[tilespmem:$0x10A00] =	vst v63  }
0xa7: {  	_ = 	snop  }
0xa8: {  	[tilespmem:s7], [sflag:$0x1] =	stream.indirect.gather [hbm4b:s16+s11], $0x80, s20, s11, $0xb8;
	[tilespmem:$0x10A00] =	vst v63  }
0xa9: {  	_ = 	snop  }
0xaa: {  	[tilespmem:s5], [sflag:$0x1] =	stream.indirect.gather [hbm4b:s16+s11], $0x80, s23, s11, $0xb8;
	[tilespmem:$0x10A00] =	vst v63  }
0xab: {  	_ =	swait.ge [sflag:s8], $0x4000  }
0xac: {  	[sflag:s8] =	ssyncset.done $0x0  }
0xad: {  	s1 =	rddreg [dreg:$0x15];
	[sflag:s8] =	ssyncadd.s32 $0xFFFFC000  }
0xae: {  	[hbm4b:s1+s2] =	stream.linear.scatter [tilespmem:s10], [sflag:$0x2], $0x4000, $0x38;
	[tilespmem:$0x10A00] =	vst v63  }
0xaf: {  	_ =	swait.ge [sflag:s8], $0x4000  }
0xb0: {  	[sflag:s8] =	ssyncset.done $0x0  }
0xb1: {  	s1 =	rddreg [dreg:$0x16];
	[sflag:s8] =	ssyncadd.s32 $0xFFFFC000  }
0xb2: {  	[hbm4b:s1+s2] =	stream.linear.scatter [tilespmem:s9], [sflag:$0x2], $0x4000, $0x38;
	[tilespmem:$0x10A00] =	vst v63  }
0xb3: {  	_ =	swait.ge [sflag:s8], $0x4000  }
0xb4: {  	[sflag:s8] =	ssyncset.done $0x0  }
0xb5: {  	s1 =	rddreg [dreg:$0x17];
	[sflag:s8] =	ssyncadd.s32 $0xFFFFC000  }
0xb6: {  	[hbm4b:s1+s2] =	stream.linear.scatter [tilespmem:s7], [sflag:$0x2], $0x4000, $0x38;
	[tilespmem:$0x10A00] =	vst v63  }
0xb7: {  	_ =	swait.ge [sflag:s8], $0x4000  }
0xb8: {  	[sflag:s8] =	ssyncset.done $0x0  }
0xb9: {  	s1 =	rddreg [dreg:$0x18];
	[sflag:s8] =	ssyncadd.s32 $0xFFFFC000  }
0xba: {  	[hbm4b:s1+s2] =	stream.linear.scatter [tilespmem:s5], [sflag:$0x2], $0x4000, $0x38;
	[tilespmem:$0x10A00] =	vst v63  }
0xbb: {  	_ =	swait.ge [sflag:s4], $0x4000  }
0xbc: {  	[sflag:s4] =	ssyncset.done $0x0  }
0xbd: {  	[sflag:s4] =	ssyncadd.s32 $0xFFFFC000  }
0xbe: {  	_ =	swait.ge [sflag:s4], $0x4000  }
0xbf: {  	[sflag:s4] =	ssyncset.done $0x0  }
0xc0: {  	[sflag:s4] =	ssyncadd.s32 $0xFFFFC000  }
0xc1: {  	_ =	swait.ge [sflag:s4], $0x4000  }
0xc2: {  	[sflag:s4] =	ssyncset.done $0x0  }
0xc3: {  	[sflag:s4] =	ssyncadd.s32 $0xFFFFC000  }
0xc4: {  	_ =	swait.ge [sflag:s4], $0x4000  }
0xc5: {  	[sflag:s4] =	ssyncset.done $0x0  }
0xc6: {  	[sflag:s4] =	ssyncadd.s32 $0xFFFFC000  }
0xc7: {  	[tilespmem:s10], [sflag:$0x1] =	stream.indirect.gather [hbm4b:s3+s11], $0x80, s12, s11, $0xb8;
	[tilespmem:$0x10A00] =	vst v63  }
0xc8: {  	_ = 	snop  }
0xc9: {  	[tilespmem:s9], [sflag:$0x1] =	stream.indirect.gather [hbm4b:s3+s11], $0x80, s14, s11, $0xb8;
	[tilespmem:$0x10A00] =	vst v63  }
0xca: {  	_ = 	snop  }
0xcb: {  	[tilespmem:s7], [sflag:$0x1] =	stream.indirect.gather [hbm4b:s3+s11], $0x80, s15, s11, $0xb8;
	[tilespmem:$0x10A00] =	vst v63  }
0xcc: {  	_ = 	snop  }
0xcd: {  	[tilespmem:s5], [sflag:$0x1] =	stream.indirect.gather [hbm4b:s3+s11], $0x80, s18, s11, $0xb8;
	[tilespmem:$0x10A00] =	vst v63  }
0xce: {  	_ =	swait.ge [sflag:s8], $0x4000  }
0xcf: {  	[sflag:s8] =	ssyncset.done $0x0  }
0xd0: {  	s1 =	rddreg [dreg:$0x19];
	[sflag:s8] =	ssyncadd.s32 $0xFFFFC000  }
0xd1: {  	[hbm4b:s1+s2] =	stream.linear.scatter [tilespmem:s10], [sflag:$0x2], $0x4000, $0x38;
	[tilespmem:$0x10A00] =	vst v63  }
0xd2: {  	_ =	swait.ge [sflag:s8], $0x4000  }
0xd3: {  	[sflag:s8] =	ssyncset.done $0x0  }
0xd4: {  	s1 =	rddreg [dreg:$0x1a];
	[sflag:s8] =	ssyncadd.s32 $0xFFFFC000  }
0xd5: {  	[hbm4b:s1+s2] =	stream.linear.scatter [tilespmem:s9], [sflag:$0x2], $0x4000, $0x38;
	[tilespmem:$0x10A00] =	vst v63  }
0xd6: {  	_ =	swait.ge [sflag:s8], $0x4000  }
0xd7: {  	[sflag:s8] =	ssyncset.done $0x0  }
0xd8: {  	s1 =	rddreg [dreg:$0x1b];
	[sflag:s8] =	ssyncadd.s32 $0xFFFFC000  }
0xd9: {  	[hbm4b:s1+s2] =	stream.linear.scatter [tilespmem:s7], [sflag:$0x2], $0x4000, $0x38;
	[tilespmem:$0x10A00] =	vst v63  }
0xda: {  	_ =	swait.ge [sflag:s8], $0x4000  }
0xdb: {  	[sflag:s8] =	ssyncset.done $0x0  }
0xdc: {  	s1 =	rddreg [dreg:$0x1c];
	[sflag:s8] =	ssyncadd.s32 $0xFFFFC000  }
0xdd: {  	[hbm4b:s1+s2] =	stream.linear.scatter [tilespmem:s5], [sflag:$0x2], $0x4000, $0x38;
	[tilespmem:$0x10A00] =	vst v63  }
0xde: {  	_ =	swait.ge [sflag:s4], $0x4000  }
0xdf: {  	[sflag:s4] =	ssyncset.done $0x0  }
0xe0: {  	[sflag:s4] =	ssyncadd.s32 $0xFFFFC000  }
0xe1: {  	_ =	swait.ge [sflag:s4], $0x4000  }
0xe2: {  	[sflag:s4] =	ssyncset.done $0x0  }
0xe3: {  	p1 =	sne.s32 s13, $0x1;
	[sflag:s4] =	ssyncadd.s32 $0xFFFFC000  }
.Ltmp1:
0xe4: {  	_ =	swait.ge [sflag:s4], $0x4000;
	(pc) =	sbr.rel @!p1 .LBB2_3-.Ltmp1, $4  }
0xe5: {  	[sflag:s4] =	ssyncset.done $0x0  }
0xe6: {  	[sflag:s4] =	ssyncadd.s32 $0xFFFFC000  }
0xe7: {  	p0 =	por $0x1, $0x1;
	_ =	swait.ge [sflag:s4], $0x4000  }
0xe8: {  	s1 =	sadd.s32 $0xFFFFFFFF, s13;
	s0 =	rddreg [dreg:$0x4];
	[sflag:s4] =	ssyncset.done $0x0  }
.LBB2_4:
0xe9: {  	[sflag:s4] =	ssyncadd.s32 $0xFFFFC000  }
0xea: {  	[tilespmem:s2], [sflag:$0x3] =	stream.linear.gather [hbm4b:s0+s2], $0x200, $0x38;
	[tilespmem:$0x10A00] =	vst v63  }
0xeb: {  	_ =	swait.ge [sflag:s31], $0x200  }
0xec: {  	[sflag:s31] =	ssyncset.done $0x0  }
0xed: {  	s13 =	rddreg [dreg:$0x5];
	[sflag:s31] =	ssyncadd.s32 $0xFFFFFE00  }
0xee: {  	[tilespmem:s26], [sflag:$0x3] =	stream.linear.gather [hbm4b:s13+s2], $0x200, $0x38;
	[tilespmem:$0x10A00] =	vst v63  }
0xef: {  	_ =	swait.ge [sflag:s31], $0x200  }
0xf0: {  	[sflag:s31] =	ssyncset.done $0x0  }
0xf1: {  	s13 =	rddreg [dreg:$0x6];
	[sflag:s31] =	ssyncadd.s32 $0xFFFFFE00  }
0xf2: {  	[tilespmem:s21], [sflag:$0x3] =	stream.linear.gather [hbm4b:s13+s2], $0x200, $0x38;
	[tilespmem:$0x10A00] =	vst v63  }
0xf3: {  	_ =	swait.ge [sflag:s31], $0x200  }
0xf4: {  	[sflag:s31] =	ssyncset.done $0x0  }
0xf5: {  	s13 =	rddreg [dreg:$0x7];
	[sflag:s31] =	ssyncadd.s32 $0xFFFFFE00  }
0xf6: {  	[tilespmem:s17], [sflag:$0x3] =	stream.linear.gather [hbm4b:s13+s2], $0x200, $0x38;
	[tilespmem:$0x10A00] =	vst v63  }
0xf7: {  	_ =	swait.ge [sflag:s31], $0x200  }
0xf8: {  	[sflag:s31] =	ssyncset.done $0x0  }
0xf9: {  	s13 =	rddreg [dreg:$0x8];
	[sflag:s31] =	ssyncadd.s32 $0xFFFFFE00  }
0xfa: {  	[tilespmem:s12], [sflag:$0x3] =	stream.linear.gather [hbm4b:s13+s2], $0x200, $0x38;
	[tilespmem:$0x10A00] =	vst v63  }
0xfb: {  	_ =	swait.ge [sflag:s31], $0x200  }
0xfc: {  	[sflag:s31] =	ssyncset.done $0x0  }
0xfd: {  	[sflag:s31] =	ssyncadd.s32 $0xFFFFFE00  }
0xfe: {  	[tilespmem:s10], [sflag:$0x1] =	stream.indirect.gather [hbm4b:s28+s11], $0x80, s2, s11, $0xb8;
	[tilespmem:$0x10A00] =	vst v63  }
0xff: {  	_ = 	snop  }
0x100: {  	[tilespmem:s9], [sflag:$0x1] =	stream.indirect.gather [hbm4b:s28+s11], $0x80, s11, s11, $0xb8;
	[tilespmem:$0x10A00] =	vst v63  }
0x101: {  	s0 =	rddreg [dreg:$0x1d]  }
0x102: {  	[tilespmem:s7], [sflag:$0x1] =	stream.indirect.gather [hbm4b:s28+s11], $0x80, s0, s11, $0xb8;
	[tilespmem:$0x10A00] =	vst v63  }
0x103: {  	s13 =	rddreg [dreg:$0x1e]  }
0x104: {  	[tilespmem:s5], [sflag:$0x1] =	stream.indirect.gather [hbm4b:s28+s11], $0x80, s13, s11, $0xb8;
	[tilespmem:$0x10A00] =	vst v63  }
0x105: {  	_ =	swait.ge [sflag:s8], $0x4000  }
0x106: {  	[sflag:s8] =	ssyncset.done $0x0  }
0x107: {  	s13 =	rddreg [dreg:$0x9];
	[sflag:s8] =	ssyncadd.s32 $0xFFFFC000  }
0x108: {  	[hbm4b:s13+s2] =	stream.linear.scatter [tilespmem:s10], [sflag:$0x2], $0x4000, $0x38;
	[tilespmem:$0x10A00] =	vst v63  }
0x109: {  	_ =	swait.ge [sflag:s8], $0x4000  }
0x10a: {  	[sflag:s8] =	ssyncset.done $0x0  }
0x10b: {  	s13 =	rddreg [dreg:$0xa];
	[sflag:s8] =	ssyncadd.s32 $0xFFFFC000  }
0x10c: {  	[hbm4b:s13+s2] =	stream.linear.scatter [tilespmem:s9], [sflag:$0x2], $0x4000, $0x38;
	[tilespmem:$0x10A00] =	vst v63  }
0x10d: {  	_ =	swait.ge [sflag:s8], $0x4000  }
0x10e: {  	[sflag:s8] =	ssyncset.done $0x0  }
0x10f: {  	s13 =	rddreg [dreg:$0xb];
	[sflag:s8] =	ssyncadd.s32 $0xFFFFC000  }
0x110: {  	[hbm4b:s13+s2] =	stream.linear.scatter [tilespmem:s7], [sflag:$0x2], $0x4000, $0x38;
	[tilespmem:$0x10A00] =	vst v63  }
0x111: {  	_ =	swait.ge [sflag:s8], $0x4000  }
0x112: {  	[sflag:s8] =	ssyncset.done $0x0  }
0x113: {  	s13 =	rddreg [dreg:$0xc];
	[sflag:s8] =	ssyncadd.s32 $0xFFFFC000  }
0x114: {  	[hbm4b:s13+s2] =	stream.linear.scatter [tilespmem:s5], [sflag:$0x2], $0x4000, $0x38;
	[tilespmem:$0x10A00] =	vst v63  }
0x115: {  	_ =	swait.ge [sflag:s4], $0x4000  }
0x116: {  	[sflag:s4] =	ssyncset.done $0x0  }
0x117: {  	[sflag:s4] =	ssyncadd.s32 $0xFFFFC000  }
0x118: {  	_ =	swait.ge [sflag:s4], $0x4000  }
0x119: {  	[sflag:s4] =	ssyncset.done $0x0  }
0x11a: {  	[sflag:s4] =	ssyncadd.s32 $0xFFFFC000  }
0x11b: {  	_ =	swait.ge [sflag:s4], $0x4000  }
0x11c: {  	[sflag:s4] =	ssyncset.done $0x0  }
0x11d: {  	[sflag:s4] =	ssyncadd.s32 $0xFFFFC000  }
0x11e: {  	_ =	swait.ge [sflag:s4], $0x4000  }
0x11f: {  	[sflag:s4] =	ssyncset.done $0x0  }
0x120: {  	[sflag:s4] =	ssyncadd.s32 $0xFFFFC000  }
0x121: {  	[tilespmem:s10], [sflag:$0x1] =	stream.indirect.gather [hbm4b:s22+s11], $0x80, s26, s11, $0xb8;
	[tilespmem:$0x10A00] =	vst v63  }
0x122: {  	s13 =	rddreg [dreg:$0x1f]  }
0x123: {  	[tilespmem:s9], [sflag:$0x1] =	stream.indirect.gather [hbm4b:s22+s11], $0x80, s13, s11, $0xb8;
	[tilespmem:$0x10A00] =	vst v63  }
0x124: {  	_ = 	snop  }
0x125: {  	[tilespmem:s7], [sflag:$0x1] =	stream.indirect.gather [hbm4b:s22+s11], $0x80, s30, s11, $0xb8;
	[tilespmem:$0x10A00] =	vst v63  }
0x126: {  	_ = 	snop  }
0x127: {  	[tilespmem:s5], [sflag:$0x1] =	stream.indirect.gather [hbm4b:s22+s11], $0x80, s24, s11, $0xb8;
	[tilespmem:$0x10A00] =	vst v63  }
0x128: {  	_ =	swait.ge [sflag:s8], $0x4000  }
0x129: {  	[sflag:s8] =	ssyncset.done $0x0  }
0x12a: {  	s13 =	rddreg [dreg:$0xd];
	[sflag:s8] =	ssyncadd.s32 $0xFFFFC000  }
0x12b: {  	[hbm4b:s13+s2] =	stream.linear.scatter [tilespmem:s10], [sflag:$0x2], $0x4000, $0x38;
	[tilespmem:$0x10A00] =	vst v63  }
0x12c: {  	_ =	swait.ge [sflag:s8], $0x4000  }
0x12d: {  	[sflag:s8] =	ssyncset.done $0x0  }
0x12e: {  	s13 =	rddreg [dreg:$0xe];
	[sflag:s8] =	ssyncadd.s32 $0xFFFFC000  }
0x12f: {  	[hbm4b:s13+s2] =	stream.linear.scatter [tilespmem:s9], [sflag:$0x2], $0x4000, $0x38;
	[tilespmem:$0x10A00] =	vst v63  }
0x130: {  	_ =	swait.ge [sflag:s8], $0x4000  }
0x131: {  	[sflag:s8] =	ssyncset.done $0x0  }
0x132: {  	s13 =	rddreg [dreg:$0xf];
	[sflag:s8] =	ssyncadd.s32 $0xFFFFC000  }
0x133: {  	[hbm4b:s13+s2] =	stream.linear.scatter [tilespmem:s7], [sflag:$0x2], $0x4000, $0x38;
	[tilespmem:$0x10A00] =	vst v63  }
0x134: {  	_ =	swait.ge [sflag:s8], $0x4000  }
0x135: {  	[sflag:s8] =	ssyncset.done $0x0  }
0x136: {  	s13 =	rddreg [dreg:$0x10];
	[sflag:s8] =	ssyncadd.s32 $0xFFFFC000  }
0x137: {  	[hbm4b:s13+s2] =	stream.linear.scatter [tilespmem:s5], [sflag:$0x2], $0x4000, $0x38;
	[tilespmem:$0x10A00] =	vst v63  }
0x138: {  	_ =	swait.ge [sflag:s4], $0x4000  }
0x139: {  	[sflag:s4] =	ssyncset.done $0x0  }
0x13a: {  	[sflag:s4] =	ssyncadd.s32 $0xFFFFC000  }
0x13b: {  	_ =	swait.ge [sflag:s4], $0x4000  }
0x13c: {  	[sflag:s4] =	ssyncset.done $0x0  }
0x13d: {  	[sflag:s4] =	ssyncadd.s32 $0xFFFFC000  }
0x13e: {  	_ =	swait.ge [sflag:s4], $0x4000  }
0x13f: {  	[sflag:s4] =	ssyncset.done $0x0  }
0x140: {  	[sflag:s4] =	ssyncadd.s32 $0xFFFFC000  }
0x141: {  	_ =	swait.ge [sflag:s4], $0x4000  }
0x142: {  	[sflag:s4] =	ssyncset.done $0x0  }
0x143: {  	[sflag:s4] =	ssyncadd.s32 $0xFFFFC000  }
0x144: {  	[tilespmem:s10], [sflag:$0x1] =	stream.indirect.gather [hbm4b:s6+s11], $0x80, s21, s11, $0xb8;
	[tilespmem:$0x10A00] =	vst v63  }
0x145: {  	s13 =	simm.s32 $0x480  }
0x146: {  	[tilespmem:s9], [sflag:$0x1] =	stream.indirect.gather [hbm4b:s6+s11], $0x80, s13, s11, $0xb8;
	[tilespmem:$0x10A00] =	vst v63  }
0x147: {  	_ = 	snop  }
0x148: {  	[tilespmem:s7], [sflag:$0x1] =	stream.indirect.gather [hbm4b:s6+s11], $0x80, s25, s11, $0xb8;
	[tilespmem:$0x10A00] =	vst v63  }
0x149: {  	_ = 	snop  }
0x14a: {  	[tilespmem:s5], [sflag:$0x1] =	stream.indirect.gather [hbm4b:s6+s11], $0x80, s29, s11, $0xb8;
	[tilespmem:$0x10A00] =	vst v63  }
0x14b: {  	_ =	swait.ge [sflag:s8], $0x4000  }
0x14c: {  	[sflag:s8] =	ssyncset.done $0x0  }
0x14d: {  	s13 =	rddreg [dreg:$0x11];
	[sflag:s8] =	ssyncadd.s32 $0xFFFFC000  }
0x14e: {  	[hbm4b:s13+s2] =	stream.linear.scatter [tilespmem:s10], [sflag:$0x2], $0x4000, $0x38;
	[tilespmem:$0x10A00] =	vst v63  }
0x14f: {  	_ =	swait.ge [sflag:s8], $0x4000  }
0x150: {  	[sflag:s8] =	ssyncset.done $0x0  }
0x151: {  	s13 =	rddreg [dreg:$0x12];
	[sflag:s8] =	ssyncadd.s32 $0xFFFFC000  }
0x152: {  	[hbm4b:s13+s2] =	stream.linear.scatter [tilespmem:s9], [sflag:$0x2], $0x4000, $0x38;
	[tilespmem:$0x10A00] =	vst v63  }
0x153: {  	_ =	swait.ge [sflag:s8], $0x4000  }
0x154: {  	[sflag:s8] =	ssyncset.done $0x0  }
0x155: {  	s13 =	rddreg [dreg:$0x13];
	[sflag:s8] =	ssyncadd.s32 $0xFFFFC000  }
0x156: {  	[hbm4b:s13+s2] =	stream.linear.scatter [tilespmem:s7], [sflag:$0x2], $0x4000, $0x38;
	[tilespmem:$0x10A00] =	vst v63  }
0x157: {  	_ =	swait.ge [sflag:s8], $0x4000  }
0x158: {  	[sflag:s8] =	ssyncset.done $0x0  }
0x159: {  	s13 =	rddreg [dreg:$0x14];
	[sflag:s8] =	ssyncadd.s32 $0xFFFFC000  }
0x15a: {  	[hbm4b:s13+s2] =	stream.linear.scatter [tilespmem:s5], [sflag:$0x2], $0x4000, $0x38;
	[tilespmem:$0x10A00] =	vst v63  }
0x15b: {  	_ =	swait.ge [sflag:s4], $0x4000  }
0x15c: {  	[sflag:s4] =	ssyncset.done $0x0  }
0x15d: {  	[sflag:s4] =	ssyncadd.s32 $0xFFFFC000  }
0x15e: {  	_ =	swait.ge [sflag:s4], $0x4000  }
0x15f: {  	[sflag:s4] =	ssyncset.done $0x0  }
0x160: {  	[sflag:s4] =	ssyncadd.s32 $0xFFFFC000  }
0x161: {  	_ =	swait.ge [sflag:s4], $0x4000  }
0x162: {  	[sflag:s4] =	ssyncset.done $0x0  }
0x163: {  	[sflag:s4] =	ssyncadd.s32 $0xFFFFC000  }
0x164: {  	_ =	swait.ge [sflag:s4], $0x4000  }
0x165: {  	[sflag:s4] =	ssyncset.done $0x0  }
0x166: {  	[sflag:s4] =	ssyncadd.s32 $0xFFFFC000  }
0x167: {  	[tilespmem:s10], [sflag:$0x1] =	stream.indirect.gather [hbm4b:s16+s11], $0x80, s17, s11, $0xb8;
	[tilespmem:$0x10A00] =	vst v63  }
0x168: {  	_ = 	snop  }
0x169: {  	[tilespmem:s9], [sflag:$0x1] =	stream.indirect.gather [hbm4b:s16+s11], $0x80, s19, s11, $0xb8;
	[tilespmem:$0x10A00] =	vst v63  }
0x16a: {  	_ = 	snop  }
0x16b: {  	[tilespmem:s7], [sflag:$0x1] =	stream.indirect.gather [hbm4b:s16+s11], $0x80, s20, s11, $0xb8;
	[tilespmem:$0x10A00] =	vst v63  }
0x16c: {  	_ = 	snop  }
0x16d: {  	[tilespmem:s5], [sflag:$0x1] =	stream.indirect.gather [hbm4b:s16+s11], $0x80, s23, s11, $0xb8;
	[tilespmem:$0x10A00] =	vst v63  }
0x16e: {  	_ =	swait.ge [sflag:s8], $0x4000  }
0x16f: {  	[sflag:s8] =	ssyncset.done $0x0  }
0x170: {  	s13 =	rddreg [dreg:$0x15];
	[sflag:s8] =	ssyncadd.s32 $0xFFFFC000  }
0x171: {  	[hbm4b:s13+s2] =	stream.linear.scatter [tilespmem:s10], [sflag:$0x2], $0x4000, $0x38;
	[tilespmem:$0x10A00] =	vst v63  }
0x172: {  	_ =	swait.ge [sflag:s8], $0x4000  }
0x173: {  	[sflag:s8] =	ssyncset.done $0x0  }
0x174: {  	s13 =	rddreg [dreg:$0x16];
	[sflag:s8] =	ssyncadd.s32 $0xFFFFC000  }
0x175: {  	[hbm4b:s13+s2] =	stream.linear.scatter [tilespmem:s9], [sflag:$0x2], $0x4000, $0x38;
	[tilespmem:$0x10A00] =	vst v63  }
0x176: {  	_ =	swait.ge [sflag:s8], $0x4000  }
0x177: {  	[sflag:s8] =	ssyncset.done $0x0  }
0x178: {  	s13 =	rddreg [dreg:$0x17];
	[sflag:s8] =	ssyncadd.s32 $0xFFFFC000  }
0x179: {  	[hbm4b:s13+s2] =	stream.linear.scatter [tilespmem:s7], [sflag:$0x2], $0x4000, $0x38;
	[tilespmem:$0x10A00] =	vst v63  }
0x17a: {  	_ =	swait.ge [sflag:s8], $0x4000  }
0x17b: {  	[sflag:s8] =	ssyncset.done $0x0  }
0x17c: {  	s13 =	rddreg [dreg:$0x18];
	[sflag:s8] =	ssyncadd.s32 $0xFFFFC000  }
0x17d: {  	[hbm4b:s13+s2] =	stream.linear.scatter [tilespmem:s5], [sflag:$0x2], $0x4000, $0x38;
	[tilespmem:$0x10A00] =	vst v63  }
0x17e: {  	_ =	swait.ge [sflag:s4], $0x4000  }
0x17f: {  	[sflag:s4] =	ssyncset.done $0x0  }
0x180: {  	[sflag:s4] =	ssyncadd.s32 $0xFFFFC000  }
0x181: {  	_ =	swait.ge [sflag:s4], $0x4000  }
0x182: {  	[sflag:s4] =	ssyncset.done $0x0  }
0x183: {  	[sflag:s4] =	ssyncadd.s32 $0xFFFFC000  }
0x184: {  	_ =	swait.ge [sflag:s4], $0x4000  }
0x185: {  	[sflag:s4] =	ssyncset.done $0x0  }
0x186: {  	[sflag:s4] =	ssyncadd.s32 $0xFFFFC000  }
0x187: {  	_ =	swait.ge [sflag:s4], $0x4000  }
0x188: {  	[sflag:s4] =	ssyncset.done $0x0  }
0x189: {  	[sflag:s4] =	ssyncadd.s32 $0xFFFFC000  }
0x18a: {  	[tilespmem:s10], [sflag:$0x1] =	stream.indirect.gather [hbm4b:s3+s11], $0x80, s12, s11, $0xb8;
	[tilespmem:$0x10A00] =	vst v63  }
0x18b: {  	_ = 	snop  }
0x18c: {  	[tilespmem:s9], [sflag:$0x1] =	stream.indirect.gather [hbm4b:s3+s11], $0x80, s14, s11, $0xb8;
	[tilespmem:$0x10A00] =	vst v63  }
0x18d: {  	_ = 	snop  }
0x18e: {  	[tilespmem:s7], [sflag:$0x1] =	stream.indirect.gather [hbm4b:s3+s11], $0x80, s15, s11, $0xb8;
	[tilespmem:$0x10A00] =	vst v63  }
0x18f: {  	_ = 	snop  }
0x190: {  	[tilespmem:s5], [sflag:$0x1] =	stream.indirect.gather [hbm4b:s3+s11], $0x80, s18, s11, $0xb8;
	[tilespmem:$0x10A00] =	vst v63  }
0x191: {  	_ =	swait.ge [sflag:s8], $0x4000  }
0x192: {  	[sflag:s8] =	ssyncset.done $0x0  }
0x193: {  	s13 =	rddreg [dreg:$0x19];
	[sflag:s8] =	ssyncadd.s32 $0xFFFFC000  }
0x194: {  	[hbm4b:s13+s2] =	stream.linear.scatter [tilespmem:s10], [sflag:$0x2], $0x4000, $0x38;
	[tilespmem:$0x10A00] =	vst v63  }
0x195: {  	_ =	swait.ge [sflag:s8], $0x4000  }
0x196: {  	[sflag:s8] =	ssyncset.done $0x0  }
0x197: {  	s13 =	rddreg [dreg:$0x1a];
	[sflag:s8] =	ssyncadd.s32 $0xFFFFC000  }
0x198: {  	[hbm4b:s13+s2] =	stream.linear.scatter [tilespmem:s9], [sflag:$0x2], $0x4000, $0x38;
	[tilespmem:$0x10A00] =	vst v63  }
0x199: {  	_ =	swait.ge [sflag:s8], $0x4000  }
0x19a: {  	[sflag:s8] =	ssyncset.done $0x0  }
0x19b: {  	s13 =	rddreg [dreg:$0x1b];
	[sflag:s8] =	ssyncadd.s32 $0xFFFFC000  }
0x19c: {  	[hbm4b:s13+s2] =	stream.linear.scatter [tilespmem:s7], [sflag:$0x2], $0x4000, $0x38;
	[tilespmem:$0x10A00] =	vst v63  }
0x19d: {  	_ =	swait.ge [sflag:s8], $0x4000  }
0x19e: {  	[sflag:s8] =	ssyncset.done $0x0  }
0x19f: {  	s13 =	rddreg [dreg:$0x1c];
	[sflag:s8] =	ssyncadd.s32 $0xFFFFC000  }
0x1a0: {  	[hbm4b:s13+s2] =	stream.linear.scatter [tilespmem:s5], [sflag:$0x2], $0x4000, $0x38;
	[tilespmem:$0x10A00] =	vst v63  }
0x1a1: {  	_ =	swait.ge [sflag:s4], $0x4000  }
0x1a2: {  	[sflag:s4] =	ssyncset.done $0x0  }
0x1a3: {  	[sflag:s4] =	ssyncadd.s32 $0xFFFFC000  }
0x1a4: {  	_ =	swait.ge [sflag:s4], $0x4000  }
0x1a5: {  	[sflag:s4] =	ssyncset.done $0x0  }
0x1a6: {  	p1 =	sne.s32 s1, $0x1;
	[sflag:s4] =	ssyncadd.s32 $0xFFFFC000  }
.Ltmp2:
0x1a7: {  	_ =	swait.ge [sflag:s4], $0x4000;
	(pc) =	sbr.rel @p1 .LBB2_4-.Ltmp2, $4  }
0x1a8: {  	[sflag:s4] =	ssyncset.done $0x0  }
0x1a9: {  	[sflag:s4] =	ssyncadd.s32 $0xFFFFC000  }
0x1aa: {  	_ =	swait.ge [sflag:s4], $0x4000  }
0x1ab: {  	s1 =	sadd.s32 $0xFFFFFFFF, s1;
	s0 =	rddreg [dreg:$0x4];
	[sflag:s4] =	ssyncset.done $0x0  }
0x1ac: {  	s18 =	simm.s32 $0x380;
	s30 =	simm.s32 $0x300  }
0x1ad: {  	s29 =	simm.s32 $0x580;
	s25 =	simm.s32 $0x500;
	s24 =	simm.s32 $0x480  }
0x1ae: {  	s23 =	simm.s32 $0x780;
	s20 =	simm.s32 $0x700;
	s19 =	simm.s32 $0x680  }
0x1af: {  	s15 =	simm.s32 $0x900;
	s14 =	simm.s32 $0x880;
	s13 =	stileid.u32  }
.LBB2_6:
0x1b0: {  	[sflag:s4] =	ssyncadd.s32 @p0 $0xFFFFC000  }
0x1b1: {  	[tilespmem:s2], [sflag:$0x3] =	stream.linear.gather [hbm4b:s0+s2], $0x200, $0x38;
	[tilespmem:$0x10A00] =	vst v63  }
0x1b2: {  	_ =	swait.ge [sflag:s31], $0x200  }
0x1b3: {  	[sflag:s31] =	ssyncset.done $0x0  }
0x1b4: {  	s1 =	rddreg [dreg:$0x5];
	[sflag:s31] =	ssyncadd.s32 $0xFFFFFE00  }
0x1b5: {  	[tilespmem:s26], [sflag:$0x3] =	stream.linear.gather [hbm4b:s1+s2], $0x200, $0x38;
	[tilespmem:$0x10A00] =	vst v63  }
0x1b6: {  	_ =	swait.ge [sflag:s31], $0x200  }
0x1b7: {  	[sflag:s31] =	ssyncset.done $0x0  }
0x1b8: {  	s1 =	rddreg [dreg:$0x6];
	[sflag:s31] =	ssyncadd.s32 $0xFFFFFE00  }
0x1b9: {  	[tilespmem:s21], [sflag:$0x3] =	stream.linear.gather [hbm4b:s1+s2], $0x200, $0x38;
	[tilespmem:$0x10A00] =	vst v63  }
0x1ba: {  	_ =	swait.ge [sflag:s31], $0x200  }
0x1bb: {  	[sflag:s31] =	ssyncset.done $0x0  }
0x1bc: {  	s1 =	rddreg [dreg:$0x7];
	[sflag:s31] =	ssyncadd.s32 $0xFFFFFE00  }
0x1bd: {  	[tilespmem:s17], [sflag:$0x3] =	stream.linear.gather [hbm4b:s1+s2], $0x200, $0x38;
	[tilespmem:$0x10A00] =	vst v63  }
0x1be: {  	_ =	swait.ge [sflag:s31], $0x200  }
0x1bf: {  	[sflag:s31] =	ssyncset.done $0x0  }
0x1c0: {  	s1 =	rddreg [dreg:$0x8];
	[sflag:s31] =	ssyncadd.s32 $0xFFFFFE00  }
0x1c1: {  	[tilespmem:s12], [sflag:$0x3] =	stream.linear.gather [hbm4b:s1+s2], $0x200, $0x38;
	[tilespmem:$0x10A00] =	vst v63  }
0x1c2: {  	_ =	swait.ge [sflag:s31], $0x200  }
0x1c3: {  	[sflag:s31] =	ssyncset.done $0x0  }
0x1c4: {  	[sflag:s31] =	ssyncadd.s32 $0xFFFFFE00  }
0x1c5: {  	[tilespmem:s10], [sflag:$0x1] =	stream.indirect.gather [hbm4b:s28+s11], $0x80, s2, s11, $0xb8;
	[tilespmem:$0x10A00] =	vst v63  }
0x1c6: {  	_ = 	snop  }
0x1c7: {  	[tilespmem:s9], [sflag:$0x1] =	stream.indirect.gather [hbm4b:s28+s11], $0x80, s11, s11, $0xb8;
	[tilespmem:$0x10A00] =	vst v63  }
0x1c8: {  	s31 =	rddreg [dreg:$0x1d]  }
0x1c9: {  	[tilespmem:s7], [sflag:$0x1] =	stream.indirect.gather [hbm4b:s28+s11], $0x80, s31, s11, $0xb8;
	[tilespmem:$0x10A00] =	vst v63  }
0x1ca: {  	s1 =	rddreg [dreg:$0x1e]  }
0x1cb: {  	[tilespmem:s5], [sflag:$0x1] =	stream.indirect.gather [hbm4b:s28+s11], $0x80, s1, s11, $0xb8;
	[tilespmem:$0x10A00] =	vst v63  }
0x1cc: {  	_ =	swait.ge [sflag:s8], $0x4000  }
0x1cd: {  	[sflag:s8] =	ssyncset.done $0x0  }
0x1ce: {  	s31 =	rddreg [dreg:$0x9];
	[sflag:s8] =	ssyncadd.s32 $0xFFFFC000  }
0x1cf: {  	[hbm4b:s31+s2] =	stream.linear.scatter [tilespmem:s10], [sflag:$0x2], $0x4000, $0x38;
	[tilespmem:$0x10A00] =	vst v63  }
0x1d0: {  	_ =	swait.ge [sflag:s8], $0x4000  }
0x1d1: {  	[sflag:s8] =	ssyncset.done $0x0  }
0x1d2: {  	s1 =	rddreg [dreg:$0xa];
	[sflag:s8] =	ssyncadd.s32 $0xFFFFC000  }
0x1d3: {  	[hbm4b:s1+s2] =	stream.linear.scatter [tilespmem:s9], [sflag:$0x2], $0x4000, $0x38;
	[tilespmem:$0x10A00] =	vst v63  }
0x1d4: {  	_ =	swait.ge [sflag:s8], $0x4000  }
0x1d5: {  	[sflag:s8] =	ssyncset.done $0x0  }
0x1d6: {  	s28 =	rddreg [dreg:$0xb];
	[sflag:s8] =	ssyncadd.s32 $0xFFFFC000  }
0x1d7: {  	[hbm4b:s28+s2] =	stream.linear.scatter [tilespmem:s7], [sflag:$0x2], $0x4000, $0x38;
	[tilespmem:$0x10A00] =	vst v63  }
0x1d8: {  	_ =	swait.ge [sflag:s8], $0x4000  }
0x1d9: {  	[sflag:s8] =	ssyncset.done $0x0  }
0x1da: {  	s31 =	rddreg [dreg:$0xc];
	[sflag:s8] =	ssyncadd.s32 $0xFFFFC000  }
0x1db: {  	[hbm4b:s31+s2] =	stream.linear.scatter [tilespmem:s5], [sflag:$0x2], $0x4000, $0x38;
	[tilespmem:$0x10A00] =	vst v63  }
0x1dc: {  	_ =	swait.ge [sflag:s4], $0x4000  }
0x1dd: {  	[sflag:s4] =	ssyncset.done $0x0  }
0x1de: {  	[sflag:s4] =	ssyncadd.s32 $0xFFFFC000  }
0x1df: {  	_ =	swait.ge [sflag:s4], $0x4000  }
0x1e0: {  	[sflag:s4] =	ssyncset.done $0x0  }
0x1e1: {  	[sflag:s4] =	ssyncadd.s32 $0xFFFFC000  }
0x1e2: {  	_ =	swait.ge [sflag:s4], $0x4000  }
0x1e3: {  	[sflag:s4] =	ssyncset.done $0x0  }
0x1e4: {  	[sflag:s4] =	ssyncadd.s32 $0xFFFFC000  }
0x1e5: {  	_ =	swait.ge [sflag:s4], $0x4000  }
0x1e6: {  	[sflag:s4] =	ssyncset.done $0x0  }
0x1e7: {  	[sflag:s4] =	ssyncadd.s32 $0xFFFFC000  }
0x1e8: {  	[tilespmem:s10], [sflag:$0x1] =	stream.indirect.gather [hbm4b:s22+s11], $0x80, s26, s11, $0xb8;
	[tilespmem:$0x10A00] =	vst v63  }
0x1e9: {  	s1 =	rddreg [dreg:$0x1f]  }
0x1ea: {  	[tilespmem:s9], [sflag:$0x1] =	stream.indirect.gather [hbm4b:s22+s11], $0x80, s1, s11, $0xb8;
	[tilespmem:$0x10A00] =	vst v63  }
0x1eb: {  	_ = 	snop  }
0x1ec: {  	[tilespmem:s7], [sflag:$0x1] =	stream.indirect.gather [hbm4b:s22+s11], $0x80, s30, s11, $0xb8;
	[tilespmem:$0x10A00] =	vst v63  }
0x1ed: {  	_ = 	snop  }
0x1ee: {  	[tilespmem:s5], [sflag:$0x1] =	stream.indirect.gather [hbm4b:s22+s11], $0x80, s18, s11, $0xb8;
	[tilespmem:$0x10A00] =	vst v63  }
0x1ef: {  	_ =	swait.ge [sflag:s8], $0x4000  }
0x1f0: {  	[sflag:s8] =	ssyncset.done $0x0  }
0x1f1: {  	s26 =	rddreg [dreg:$0xd];
	[sflag:s8] =	ssyncadd.s32 $0xFFFFC000  }
0x1f2: {  	[hbm4b:s26+s2] =	stream.linear.scatter [tilespmem:s10], [sflag:$0x2], $0x4000, $0x38;
	[tilespmem:$0x10A00] =	vst v63  }
0x1f3: {  	_ =	swait.ge [sflag:s8], $0x4000  }
0x1f4: {  	[sflag:s8] =	ssyncset.done $0x0  }
0x1f5: {  	s28 =	rddreg [dreg:$0xe];
	[sflag:s8] =	ssyncadd.s32 $0xFFFFC000  }
0x1f6: {  	[hbm4b:s28+s2] =	stream.linear.scatter [tilespmem:s9], [sflag:$0x2], $0x4000, $0x38;
	[tilespmem:$0x10A00] =	vst v63  }
0x1f7: {  	_ =	swait.ge [sflag:s8], $0x4000  }
0x1f8: {  	[sflag:s8] =	ssyncset.done $0x0  }
0x1f9: {  	s30 =	rddreg [dreg:$0xf];
	[sflag:s8] =	ssyncadd.s32 $0xFFFFC000  }
0x1fa: {  	[hbm4b:s30+s2] =	stream.linear.scatter [tilespmem:s7], [sflag:$0x2], $0x4000, $0x38;
	[tilespmem:$0x10A00] =	vst v63  }
0x1fb: {  	_ =	swait.ge [sflag:s8], $0x4000  }
0x1fc: {  	[sflag:s8] =	ssyncset.done $0x0  }
0x1fd: {  	s31 =	rddreg [dreg:$0x10];
	[sflag:s8] =	ssyncadd.s32 $0xFFFFC000  }
0x1fe: {  	[hbm4b:s31+s2] =	stream.linear.scatter [tilespmem:s5], [sflag:$0x2], $0x4000, $0x38;
	[tilespmem:$0x10A00] =	vst v63  }
0x1ff: {  	_ =	swait.ge [sflag:s4], $0x4000  }
0x200: {  	[sflag:s4] =	ssyncset.done $0x0  }
0x201: {  	[sflag:s4] =	ssyncadd.s32 $0xFFFFC000  }
0x202: {  	_ =	swait.ge [sflag:s4], $0x4000  }
0x203: {  	[sflag:s4] =	ssyncset.done $0x0  }
0x204: {  	[sflag:s4] =	ssyncadd.s32 $0xFFFFC000  }
0x205: {  	_ =	swait.ge [sflag:s4], $0x4000  }
0x206: {  	[sflag:s4] =	ssyncset.done $0x0  }
0x207: {  	[sflag:s4] =	ssyncadd.s32 $0xFFFFC000  }
0x208: {  	_ =	swait.ge [sflag:s4], $0x4000  }
0x209: {  	[sflag:s4] =	ssyncset.done $0x0  }
0x20a: {  	[sflag:s4] =	ssyncadd.s32 $0xFFFFC000  }
0x20b: {  	[tilespmem:s10], [sflag:$0x1] =	stream.indirect.gather [hbm4b:s6+s11], $0x80, s21, s11, $0xb8;
	[tilespmem:$0x10A00] =	vst v63  }
0x20c: {  	_ = 	snop  }
0x20d: {  	[tilespmem:s9], [sflag:$0x1] =	stream.indirect.gather [hbm4b:s6+s11], $0x80, s24, s11, $0xb8;
	[tilespmem:$0x10A00] =	vst v63  }
0x20e: {  	_ = 	snop  }
0x20f: {  	[tilespmem:s7], [sflag:$0x1] =	stream.indirect.gather [hbm4b:s6+s11], $0x80, s25, s11, $0xb8;
	[tilespmem:$0x10A00] =	vst v63  }
0x210: {  	_ = 	snop  }
0x211: {  	[tilespmem:s5], [sflag:$0x1] =	stream.indirect.gather [hbm4b:s6+s11], $0x80, s29, s11, $0xb8;
	[tilespmem:$0x10A00] =	vst v63  }
0x212: {  	_ =	swait.ge [sflag:s8], $0x4000  }
0x213: {  	[sflag:s8] =	ssyncset.done $0x0  }
0x214: {  	s1 =	rddreg [dreg:$0x11];
	[sflag:s8] =	ssyncadd.s32 $0xFFFFC000  }
0x215: {  	[hbm4b:s1+s2] =	stream.linear.scatter [tilespmem:s10], [sflag:$0x2], $0x4000, $0x38;
	[tilespmem:$0x10A00] =	vst v63  }
0x216: {  	_ =	swait.ge [sflag:s8], $0x4000  }
0x217: {  	[sflag:s8] =	ssyncset.done $0x0  }
0x218: {  	s6 =	rddreg [dreg:$0x12];
	[sflag:s8] =	ssyncadd.s32 $0xFFFFC000  }
0x219: {  	[hbm4b:s6+s2] =	stream.linear.scatter [tilespmem:s9], [sflag:$0x2], $0x4000, $0x38;
	[tilespmem:$0x10A00] =	vst v63  }
0x21a: {  	_ =	swait.ge [sflag:s8], $0x4000  }
0x21b: {  	[sflag:s8] =	ssyncset.done $0x0  }
0x21c: {  	s18 =	rddreg [dreg:$0x13];
	[sflag:s8] =	ssyncadd.s32 $0xFFFFC000  }
0x21d: {  	[hbm4b:s18+s2] =	stream.linear.scatter [tilespmem:s7], [sflag:$0x2], $0x4000, $0x38;
	[tilespmem:$0x10A00] =	vst v63  }
0x21e: {  	_ =	swait.ge [sflag:s8], $0x4000  }
0x21f: {  	[sflag:s8] =	ssyncset.done $0x0  }
0x220: {  	s21 =	rddreg [dreg:$0x14];
	[sflag:s8] =	ssyncadd.s32 $0xFFFFC000  }
0x221: {  	[hbm4b:s21+s2] =	stream.linear.scatter [tilespmem:s5], [sflag:$0x2], $0x4000, $0x38;
	[tilespmem:$0x10A00] =	vst v63  }
0x222: {  	_ =	swait.ge [sflag:s4], $0x4000  }
0x223: {  	[sflag:s4] =	ssyncset.done $0x0  }
0x224: {  	[sflag:s4] =	ssyncadd.s32 $0xFFFFC000  }
0x225: {  	_ =	swait.ge [sflag:s4], $0x4000  }
0x226: {  	[sflag:s4] =	ssyncset.done $0x0  }
0x227: {  	[sflag:s4] =	ssyncadd.s32 $0xFFFFC000  }
0x228: {  	_ =	swait.ge [sflag:s4], $0x4000  }
0x229: {  	[sflag:s4] =	ssyncset.done $0x0  }
0x22a: {  	[sflag:s4] =	ssyncadd.s32 $0xFFFFC000  }
0x22b: {  	_ =	swait.ge [sflag:s4], $0x4000  }
0x22c: {  	[sflag:s4] =	ssyncset.done $0x0  }
0x22d: {  	[sflag:s4] =	ssyncadd.s32 $0xFFFFC000  }
0x22e: {  	[tilespmem:s10], [sflag:$0x1] =	stream.indirect.gather [hbm4b:s16+s11], $0x80, s17, s11, $0xb8;
	[tilespmem:$0x10A00] =	vst v63  }
0x22f: {  	_ = 	snop  }
0x230: {  	[tilespmem:s9], [sflag:$0x1] =	stream.indirect.gather [hbm4b:s16+s11], $0x80, s19, s11, $0xb8;
	[tilespmem:$0x10A00] =	vst v63  }
0x231: {  	_ = 	snop  }
0x232: {  	[tilespmem:s7], [sflag:$0x1] =	stream.indirect.gather [hbm4b:s16+s11], $0x80, s20, s11, $0xb8;
	[tilespmem:$0x10A00] =	vst v63  }
0x233: {  	_ = 	snop  }
0x234: {  	[tilespmem:s5], [sflag:$0x1] =	stream.indirect.gather [hbm4b:s16+s11], $0x80, s23, s11, $0xb8;
	[tilespmem:$0x10A00] =	vst v63  }
0x235: {  	_ =	swait.ge [sflag:s8], $0x4000  }
0x236: {  	[sflag:s8] =	ssyncset.done $0x0  }
0x237: {  	s22 =	rddreg [dreg:$0x15];
	[sflag:s8] =	ssyncadd.s32 $0xFFFFC000  }
0x238: {  	[hbm4b:s22+s2] =	stream.linear.scatter [tilespmem:s10], [sflag:$0x2], $0x4000, $0x38;
	[tilespmem:$0x10A00] =	vst v63  }
0x239: {  	_ =	swait.ge [sflag:s8], $0x4000  }
0x23a: {  	[sflag:s8] =	ssyncset.done $0x0  }
0x23b: {  	s23 =	rddreg [dreg:$0x16];
	[sflag:s8] =	ssyncadd.s32 $0xFFFFC000  }
0x23c: {  	[hbm4b:s23+s2] =	stream.linear.scatter [tilespmem:s9], [sflag:$0x2], $0x4000, $0x38;
	[tilespmem:$0x10A00] =	vst v63  }
0x23d: {  	_ =	swait.ge [sflag:s8], $0x4000  }
0x23e: {  	[sflag:s8] =	ssyncset.done $0x0  }
0x23f: {  	s24 =	rddreg [dreg:$0x17];
	[sflag:s8] =	ssyncadd.s32 $0xFFFFC000  }
0x240: {  	[hbm4b:s24+s2] =	stream.linear.scatter [tilespmem:s7], [sflag:$0x2], $0x4000, $0x38;
	[tilespmem:$0x10A00] =	vst v63  }
0x241: {  	_ =	swait.ge [sflag:s8], $0x4000  }
0x242: {  	[sflag:s8] =	ssyncset.done $0x0  }
0x243: {  	s25 =	rddreg [dreg:$0x18];
	[sflag:s8] =	ssyncadd.s32 $0xFFFFC000  }
0x244: {  	[hbm4b:s25+s2] =	stream.linear.scatter [tilespmem:s5], [sflag:$0x2], $0x4000, $0x38;
	[tilespmem:$0x10A00] =	vst v63  }
0x245: {  	_ =	swait.ge [sflag:s4], $0x4000  }
0x246: {  	[sflag:s4] =	ssyncset.done $0x0  }
0x247: {  	[sflag:s4] =	ssyncadd.s32 $0xFFFFC000  }
0x248: {  	_ =	swait.ge [sflag:s4], $0x4000  }
0x249: {  	[sflag:s4] =	ssyncset.done $0x0  }
0x24a: {  	[sflag:s4] =	ssyncadd.s32 $0xFFFFC000  }
0x24b: {  	_ =	swait.ge [sflag:s4], $0x4000  }
0x24c: {  	[sflag:s4] =	ssyncset.done $0x0  }
0x24d: {  	[sflag:s4] =	ssyncadd.s32 $0xFFFFC000  }
0x24e: {  	_ =	swait.ge [sflag:s4], $0x4000  }
0x24f: {  	[sflag:s4] =	ssyncset.done $0x0  }
0x250: {  	[sflag:s4] =	ssyncadd.s32 $0xFFFFC000  }
0x251: {  	[tilespmem:s10], [sflag:$0x1] =	stream.indirect.gather [hbm4b:s3+s11], $0x80, s12, s11, $0xb8;
	[tilespmem:$0x10A00] =	vst v63  }
0x252: {  	_ = 	snop  }
0x253: {  	[tilespmem:s9], [sflag:$0x1] =	stream.indirect.gather [hbm4b:s3+s11], $0x80, s14, s11, $0xb8;
	[tilespmem:$0x10A00] =	vst v63  }
0x254: {  	_ = 	snop  }
0x255: {  	[tilespmem:s7], [sflag:$0x1] =	stream.indirect.gather [hbm4b:s3+s11], $0x80, s15, s11, $0xb8;
	[tilespmem:$0x10A00] =	vst v63  }
0x256: {  	s26 =	simm.s32 $0x980  }
0x257: {  	[tilespmem:s5], [sflag:$0x1] =	stream.indirect.gather [hbm4b:s3+s11], $0x80, s26, s11, $0xb8;
	[tilespmem:$0x10A00] =	vst v63  }
0x258: {  	_ =	swait.ge [sflag:s8], $0x4000  }
0x259: {  	[sflag:s8] =	ssyncset.done $0x0  }
0x25a: {  	s28 =	rddreg [dreg:$0x19];
	[sflag:s8] =	ssyncadd.s32 $0xFFFFC000  }
0x25b: {  	[hbm4b:s28+s2] =	stream.linear.scatter [tilespmem:s10], [sflag:$0x2], $0x4000, $0x38;
	[tilespmem:$0x10A00] =	vst v63  }
0x25c: {  	_ =	swait.ge [sflag:s8], $0x4000  }
0x25d: {  	[sflag:s8] =	ssyncset.done $0x0  }
0x25e: {  	s29 =	rddreg [dreg:$0x1a];
	[sflag:s8] =	ssyncadd.s32 $0xFFFFC000  }
0x25f: {  	[hbm4b:s29+s2] =	stream.linear.scatter [tilespmem:s9], [sflag:$0x2], $0x4000, $0x38;
	[tilespmem:$0x10A00] =	vst v63  }
0x260: {  	_ =	swait.ge [sflag:s8], $0x4000  }
0x261: {  	[sflag:s8] =	ssyncset.done $0x0  }
0x262: {  	s30 =	rddreg [dreg:$0x1b];
	[sflag:s8] =	ssyncadd.s32 $0xFFFFC000  }
0x263: {  	[hbm4b:s30+s2] =	stream.linear.scatter [tilespmem:s7], [sflag:$0x2], $0x4000, $0x38;
	[tilespmem:$0x10A00] =	vst v63  }
0x264: {  	_ =	swait.ge [sflag:s8], $0x4000  }
0x265: {  	[sflag:s8] =	ssyncset.done $0x0  }
0x266: {  	s31 =	rddreg [dreg:$0x1c];
	[sflag:s8] =	ssyncadd.s32 $0xFFFFC000  }
0x267: {  	[hbm4b:s31+s2] =	stream.linear.scatter [tilespmem:s5], [sflag:$0x2], $0x4000, $0x38;
	[tilespmem:$0x10A00] =	vst v63  }
0x268: {  	_ =	swait.ge [sflag:s4], $0x4000  }
0x269: {  	[sflag:s4] =	ssyncset.done $0x0  }
0x26a: {  	[sflag:s4] =	ssyncadd.s32 $0xFFFFC000  }
0x26b: {  	_ =	swait.ge [sflag:s4], $0x4000  }
0x26c: {  	[sflag:s4] =	ssyncset.done $0x0  }
0x26d: {  	[sflag:s4] =	ssyncadd.s32 $0xFFFFC000  }
0x26e: {  	_ =	swait.ge [sflag:s4], $0x4000  }
0x26f: {  	[sflag:s4] =	ssyncset.done $0x0  }
0x270: {  	[sflag:s4] =	ssyncadd.s32 $0xFFFFC000  }
0x271: {  	_ =	swait.ge [sflag:s4], $0x4000  }
0x272: {  	[sflag:s4] =	ssyncset.done $0x0  }
0x273: {  	[sflag:s4] =	ssyncadd.s32 $0xFFFFC000  }
0x274: {  	_ =	sfence.sel $0x180000  }
0x275: {  	[bflag:$0x0] =	sbarrier.arrive $0xFFFF  }
0x276: {  	_ =	strace $0x90000047  }
0x277: {  	[bflag:$0x2] =	sbarrier.arrive $0xFFFF  }
0x278: {  	p0 =	sne.s32 s13, $0x0;
	s0 =	rddreg [dreg:$0x3]  }
0x279: {  	s0 =	sadd.s32 @!p0 $0x100000, s0  }
0x27a: {  	[sflag:s0] =	ssyncadd.tile.s32 @!p0 $0x1;
	_ =	shalt  }
.LBB2_1:
.Ltmp3:
0x27b: {  	(pc) =	sbr.rel .LBB2_6-.Ltmp3, $4  }
0x27c: {  	s18 =	simm.s32 $0x380  }
0x27d: {  	s30 =	simm.s32 $0x300;
	s29 =	simm.s32 $0x580;
	s25 =	simm.s32 $0x500  }
0x27e: {  	s24 =	simm.s32 $0x480;
	s23 =	simm.s32 $0x780;
	s20 =	simm.s32 $0x700  }
0x27f: {  	s19 =	simm.s32 $0x680;
	s15 =	simm.s32 $0x900;
	s14 =	simm.s32 $0x880  }
.LBB2_3:
.Ltmp4:
0x280: {  	(pc) =	sbr.rel .LBB2_6-.Ltmp4, $4  }
0x281: {  	s18 =	simm.s32 $0x380;
	s30 =	simm.s32 $0x300  }
0x282: {  	s29 =	simm.s32 $0x580;
	s25 =	simm.s32 $0x500;
	s24 =	simm.s32 $0x480  }
0x283: {  	s23 =	simm.s32 $0x780;
	s20 =	simm.s32 $0x700;
	s19 =	simm.s32 $0x680  }
0x284: {  	s15 =	simm.s32 $0x900;
	s14 =	simm.s32 $0x880;
	s13 =	stileid.u32  }
.Lfunc_end2:
_tile_overlayer_lowered:
.L_overlay_start_2:
0x285: {  	(tag) =	ssettag $0x2  }
0x286: {  	s0 =	rddreg [dreg:$0x0];
	s2 =	stileid.u32  }
0x287: {  	s1 =	rddreg [dreg:$0x1];
	p0 =	sne.s32 s2, $0x0  }
0x288: {  	s3 =	rddreg [dreg:$0x2];
	[bflag:$0x3] =	sbarrier.arrive $0xFFFF;
	s2 =	simm.s32 @!p0 $0x1C03  }
0x289: {  	[timem:s3], [sflag:s2] =	dma.local @!p0 [hbm:s0], s1  }
0x28a: {  	s0 =	simm.s32 @!p0 $0x3  }
0x28b: {  	_ =	swait.ge @!p0 [sflag:s0], s1  }
0x28c: {  	s1 =	ssub.s32 @!p0 $0x0, s1;
	[sflag:s0] =	ssyncset.done @!p0 $0x0  }
0x28d: {  	[sflag:s0] =	ssyncadd.s32 @!p0 s1  }
0x28e: {  	[bflag:$0x3] =	sbarrier.arrive $0xFFFF  }
0x28f: {  	_ =	shalt  }

</sc_bundles>
